<compile_context>
chip_gen: v7x
topology: tpu7x:2x2x1
jax: 0.10.2.dev20260603
libtpu: 0.0.44.dev20260713+nightly
codegen_flags: <defaults>
</compile_context>

<pallas_src>
import functools

import jax
import jax.numpy as jnp
from jax import lax
from jax.experimental import pallas as pl
from jax.experimental.pallas import tpu as pltpu
from jax.experimental.pallas import tpu_sc as plsc

_N = 10000
_E = 160000
_DIN = 256
_H = 128
_DOUT = 256

_NW = 32
_C = 128
_NCH = 40
_EPW = _C * _NCH
_EPAD = _NW * _EPW - _E
_NP = 10240
_RPT = _NP // 16
_CR = _NP // 128


def _make_count():
  mesh = plsc.VectorSubcoreMesh(core_axis_name="c", subcore_axis_name="s")

  @functools.partial(
      pl.kernel,
      out_type=jax.ShapeDtypeStruct((2, _NP, 8), jnp.float32),
      mesh=mesh,
      compiler_params=pltpu.CompilerParams(needs_layout_passes=False),
      scratch_types=[
          pltpu.VMEM((_NCH, _C), jnp.int32),
          pltpu.VMEM((_CR, 128), jnp.float32),
          pltpu.VMEM((_CR,), jnp.int32),
          pltpu.VMEM_SHARED((_CR, 128), jnp.float32),
          pltpu.VMEM((5, 128), jnp.float32),
          pltpu.VMEM((_RPT, 8), jnp.float32),
      ],
  )
  def count(dsts, zrows, outc, dst_v, cnt_v, iota_v, cacc, strip_v, col_v):
    c = lax.axis_index("c")
    s = lax.axis_index("s")
    wid = c * 16 + s
    pltpu.sync_copy(zrows.at[pl.ds(0, _CR)], cnt_v)
    for k in range(_CR // 16):
      iota_v[pl.ds(16 * k, 16)] = lax.iota(jnp.int32, 16) + 16 * k

    @pl.when(s == 0)
    def _():
      pltpu.sync_copy(zrows.at[pl.ds(0, _CR)], cacc)

    pltpu.sync_copy(dsts.at[wid], dst_v)
    plsc.subcore_barrier()

    ones16 = jnp.full((16,), 1.0, jnp.float32)

    def cbody(j, carry):
      for k in range(_C // 16):
        d16 = dst_v[j, pl.ds(k * 16, 16)]
        plsc.addupdate_scatter(
            cnt_v, [lax.shift_right_logical(d16, 7),
                    lax.bitwise_and(d16, 127)], ones16)
      return carry

    lax.fori_loop(0, _NCH, cbody, 0)
    pltpu.sync_copy(cnt_v, cacc.at[iota_v], add=True)
    plsc.subcore_barrier()
    pltpu.sync_copy(cacc.at[pl.ds(s * 5, 5)], strip_v)

    def ebody(i, carry):
      v = strip_v[i // 8, pl.ds((i % 8) * 16, 16)]
      n16 = lax.iota(jnp.int32, 16) + 16 * i
      for k in range(8):
        plsc.store_scatter(col_v, [n16, jnp.full((16,), k, jnp.int32)], v)
      return carry

    lax.fori_loop(0, _RPT // 16, ebody, 0)
    pltpu.sync_copy(col_v, outc.at[c, pl.ds(s * _RPT, _RPT)])

  return count


def _make_segsum():
  mesh = plsc.VectorSubcoreMesh(core_axis_name="c", subcore_axis_name="s")

  @functools.partial(
      pl.kernel,
      out_type=[
          jax.ShapeDtypeStruct((_NP, _H), jnp.float32),
          jax.ShapeDtypeStruct((_NP, _H), jnp.float32),
      ],
      mesh=mesh,
      compiler_params=pltpu.CompilerParams(needs_layout_passes=False),
      scratch_types=[
          pltpu.VMEM((_NCH, _C), jnp.int32),
          pltpu.VMEM((_NCH, _C), jnp.int32),
          pltpu.VMEM((_C, _H), jnp.float32),
          pltpu.VMEM((_C, _H), jnp.float32),
          pltpu.VMEM_SHARED((_NP, _H), jnp.float32),
          pltpu.SemaphoreType.DMA,
          pltpu.SemaphoreType.DMA,
      ],
  )
  def segsum(table, srcs, dsts, zrows, out0, out1, src_v, dst_v, rows0_v,
             rows1_v, acc, gsem0, gsem1):
    c = lax.axis_index("c")
    s = lax.axis_index("s")
    wid = c * 16 + s
    pltpu.sync_copy(zrows, acc.at[pl.ds(s * _RPT, _RPT)])
    pltpu.sync_copy(srcs.at[wid], src_v)
    pltpu.sync_copy(dsts.at[wid], dst_v)
    plsc.subcore_barrier()

    pltpu.async_copy(table.at[src_v.at[0]], rows0_v, gsem0)

    def body(k, carry):
      j0 = 2 * k
      pltpu.async_copy(table.at[src_v.at[j0 + 1]], rows1_v, gsem1)
      pltpu.make_async_copy(table.at[src_v.at[j0]], rows0_v, gsem0).wait()
      pltpu.sync_copy(rows0_v, acc.at[dst_v.at[j0]], add=True)

      @pl.when(k < _NCH // 2 - 1)
      def _():
        pltpu.async_copy(table.at[src_v.at[j0 + 2]], rows0_v, gsem0)

      pltpu.make_async_copy(table.at[src_v.at[j0 + 1]], rows1_v, gsem1).wait()
      pltpu.sync_copy(rows1_v, acc.at[dst_v.at[j0 + 1]], add=True)
      return carry

    lax.fori_loop(0, _NCH // 2, body, 0)
    plsc.subcore_barrier()

    @pl.when(c == 0)
    def _():
      pltpu.sync_copy(acc.at[pl.ds(s * _RPT, _RPT)],
                      out0.at[pl.ds(s * _RPT, _RPT)])

    @pl.when(c == 1)
    def _():
      pltpu.sync_copy(acc.at[pl.ds(s * _RPT, _RPT)],
                      out1.at[pl.ds(s * _RPT, _RPT)])

  return segsum


_count = _make_count()
_segsum = _make_segsum()

_BR = 2000


def _pre_body(x_ref, w1lt_ref, w1rt_ref, p1_ref, r1_ref):
  p1_ref[:] = jnp.dot(x_ref[:], w1lt_ref[:], preferred_element_type=jnp.float32)
  r1_ref[:] = jnp.dot(x_ref[:], w1rt_ref[:], preferred_element_type=jnp.float32)


def _mid_body(p0_ref, p1_ref, c0_ref, c1_ref, r1_ref, b1l_ref, h_ref, inv_ref):
  cnt = c0_ref[:, :1] + c1_ref[:, :1]
  inv = 1.0 / jnp.maximum(cnt, 1.0)
  s = p0_ref[:] + p1_ref[:]
  h_ref[:] = jnp.maximum(s * inv + b1l_ref[:] + r1_ref[:], 0.0)
  inv_ref[:] = jnp.broadcast_to(inv, (_BR, _H))


def _post_body(p0_ref, p1_ref, inv_ref, h_ref, w2lt_ref, b2l_ref, w2rt_ref,
               z_ref):
  mean2 = (p0_ref[:] + p1_ref[:]) * inv_ref[:]
  z_ref[:] = (jnp.dot(mean2, w2lt_ref[:], preferred_element_type=jnp.float32)
              + b2l_ref[:]
              + jnp.dot(h_ref[:], w2rt_ref[:],
                        preferred_element_type=jnp.float32))


def _row_spec(d):
  return pl.BlockSpec((_BR, d), lambda i: (i, 0))


def _full_spec(r, d):
  return pl.BlockSpec((r, d), lambda i: (0, 0))


_pre = pl.pallas_call(
    _pre_body,
    grid=(_N // _BR,),
    in_specs=[_row_spec(_DIN), _full_spec(_DIN, _H), _full_spec(_DIN, _H)],
    out_specs=[_row_spec(_H), _row_spec(_H)],
    out_shape=[
        jax.ShapeDtypeStruct((_N, _H), jnp.float32),
        jax.ShapeDtypeStruct((_N, _H), jnp.float32),
    ],
)

_mid = pl.pallas_call(
    _mid_body,
    grid=(_N // _BR,),
    in_specs=[_row_spec(_H), _row_spec(_H),
              pl.BlockSpec((_BR, 8), lambda i: (i, 0)),
              pl.BlockSpec((_BR, 8), lambda i: (i, 0)),
              _row_spec(_H), _full_spec(1, _H)],
    out_specs=[_row_spec(_H), _row_spec(_H)],
    out_shape=[
        jax.ShapeDtypeStruct((_N, _H), jnp.float32),
        jax.ShapeDtypeStruct((_N, _H), jnp.float32),
    ],
)

_post = pl.pallas_call(
    _post_body,
    grid=(_N // _BR,),
    in_specs=[_row_spec(_H), _row_spec(_H), _row_spec(_H), _row_spec(_H),
              _full_spec(_H, _DOUT), _full_spec(1, _DOUT),
              _full_spec(_H, _DOUT)],
    out_specs=_row_spec(_DOUT),
    out_shape=jax.ShapeDtypeStruct((_N, _DOUT), jnp.float32),
)


@jax.jit
def kernel(x, edge_index, W1l, b1l, W1r, W2l, b2l, W2r):
  ppw = _EPAD // _NW
  wi = lax.broadcasted_iota(jnp.int32, (_NW, ppw), 0)
  pi = lax.broadcasted_iota(jnp.int32, (_NW, ppw), 1)
  pad_src = (wi * ppw + pi) % _N
  pad_dst = _N + (wi * ppw + pi) % (_NP - _N)
  srcs = jnp.concatenate(
      [edge_index[0].reshape(_NW, _E // _NW), pad_src], axis=1
  ).reshape(_NW, _NCH, _C)
  dsts = jnp.concatenate(
      [edge_index[1].reshape(_NW, _E // _NW), pad_dst], axis=1
  ).reshape(_NW, _NCH, _C)
  zrows = jnp.zeros((_RPT, _H), jnp.float32)

  cnts = _count(dsts, zrows)
  p1, r1 = _pre(x, W1l.T, W1r.T)
  p1a, p1b = _segsum(p1, srcs, dsts, zrows)
  h, inv = _mid(p1a, p1b, cnts[0], cnts[1], r1, b1l.reshape(1, _H))
  p2a, p2b = _segsum(h, srcs, dsts, zrows)
  z = _post(p2a, p2b, inv, h, W2l.T, b2l.reshape(1, _DOUT), W2r.T)
  return z

# --- scband reference (transcript-rebuilt; emitter-appended) ---
"""Pipeline reference for scband-graph-sage-1614907703895 (READ-ONLY COPY).

The authoritative reference and input builder live on the scoring server;
editing this copy changes nothing except your own understanding.
"""

import jax, jax.numpy as jnp
import numpy as np

N = 10000
E = 160000
DIN = 256
H = 128
DOUT = 256


def setup_inputs(seed: int = 0) -> dict:
    key = jax.random.key(seed)
    ks = jax.random.split(key, 8)
    x = jax.random.normal(ks[0], (N, DIN), dtype=jnp.float32)
    edge_index = jax.random.randint(ks[1], (2, E), 0, N, dtype=jnp.int32)
    # SAGEConv layer 1: lin_l (with bias) applied to mean-aggregated neighbors,
    # lin_r (no bias) applied to root features. PyG default aggr='mean'.
    W1l = jax.random.normal(ks[2], (H, DIN), dtype=jnp.float32) * (1.0 / np.sqrt(DIN))
    b1l = jnp.zeros((H,), dtype=jnp.float32)
    W1r = jax.random.normal(ks[3], (H, DIN), dtype=jnp.float32) * (1.0 / np.sqrt(DIN))
    # SAGEConv layer 2
    W2l = jax.random.normal(ks[4], (DOUT, H), dtype=jnp.float32) * (1.0 / np.sqrt(H))
    b2l = jnp.zeros((DOUT,), dtype=jnp.float32)
    W2r = jax.random.normal(ks[5], (DOUT, H), dtype=jnp.float32) * (1.0 / np.sqrt(H))
    return {
        "x": x,
        "edge_index": edge_index,
        "W1l": W1l,
        "b1l": b1l,
        "W1r": W1r,
        "W2l": W2l,
        "b2l": b2l,
        "W2r": W2r,
    }


def _sage_conv(x, edge_index, Wl, bl, Wr):
    src = edge_index[0]
    dst = edge_index[1]
    msg = jnp.take(x, src, axis=0)
    agg = jax.ops.segment_sum(msg, dst, num_segments=N)
    cnt = jax.ops.segment_sum(jnp.ones((edge_index.shape[1],), x.dtype), dst, num_segments=N)
    mean = agg / jnp.clip(cnt, 1.0)[:, None]
    return mean @ Wl.T + bl + x @ Wr.T


def reference(x, edge_index, W1l, b1l, W1r, W2l, b2l, W2r):
    h = _sage_conv(x, edge_index, W1l, b1l, W1r)
    h = jax.nn.relu(h)
    z = _sage_conv(h, edge_index, W2l, b2l, W2r)
    return z

if __name__ == "__main__":
    import jax
    _d = setup_inputs()
    print(jax.jit(kernel)(*tuple(_d.values())))

</pallas_src>

<mosaic_0001>
#map = affine_map<(d0, d1) -> (0, 0, 0)>
#map1 = affine_map<(d0, d1) -> (0, 0)>
module attributes {stable_mosaic.version = 14 : i64} {
  func.func @count(%arg0: i32, %arg1: i32, %arg2: memref<32x40x128xi32, #tpu.memory_space<hbm>>, %arg3: memref<640x128xf32, #tpu.memory_space<hbm>>, %arg4: memref<2x10240x8xf32, #tpu.memory_space<hbm>>, %arg5: memref<40x128xi32, #tpu.memory_space<vmem>>, %arg6: memref<80x128xf32, #tpu.memory_space<vmem>>, %arg7: memref<80xi32, #tpu.memory_space<vmem>>, %arg8: memref<80x128xf32, #tpu.memory_space<vmem_shared>>, %arg9: memref<5x128xf32, #tpu.memory_space<vmem>>, %arg10: memref<640x8xf32, #tpu.memory_space<vmem>>) attributes {dimension_semantics = [#tpu.dimension_semantics<core_parallel>, #tpu.dimension_semantics<subcore_parallel>], iteration_bounds = array<i64: 2, 16>, scalar_prefetch = 0 : i64, scratch_operands = 6 : i64, tpu.core_type = #tpu.core_type<sc_vector_subcore>, window_params = [{transform_indices = #map}, {transform_indices = #map1}, {transform_indices = #map}]} {
    %mul3A = arith.constant 16 : i32
    %mul3A_0 = arith.muli %arg0, %mul3A : i32
    %add3A = arith.addi %mul3A_0, %arg1 : i32
    "tpu.region"() ({
      %run_scoped3A = tpu.sem_alloc : memref<!tpu.dma_semaphore, #tpu.memory_space<semaphore_mem>>
      %dma_start3A = arith.constant 0 : i32
      %dma_start3A_48 = arith.constant 0 : i32
      %dma_start3A_49 = tpu.memref_slice %arg3[%dma_start3A, %dma_start3A_48] : memref<640x128xf32, #tpu.memory_space<hbm>> -> memref<80x128xf32, #tpu.memory_space<hbm>>
      %dma_start3A_50 = arith.constant 0 : i32
      %dma_start3A_51 = arith.constant 0 : i32
      %dma_start3A_52 = tpu.memref_slice %arg3[%dma_start3A_50, %dma_start3A_51] : memref<640x128xf32, #tpu.memory_space<hbm>> -> memref<80x128xf32, #tpu.memory_space<hbm>>
      tpu.enqueue_dma source(%dma_start3A_52 : memref<80x128xf32, #tpu.memory_space<hbm>>) target(%arg6 : memref<80x128xf32, #tpu.memory_space<vmem>>) target_semaphore(%run_scoped3A : memref<!tpu.dma_semaphore, #tpu.memory_space<semaphore_mem>>)
      %dma_wait3A = arith.constant 0 : i32
      %dma_wait3A_53 = arith.constant 0 : i32
      %dma_wait3A_54 = tpu.memref_slice %arg3[%dma_wait3A, %dma_wait3A_53] : memref<640x128xf32, #tpu.memory_space<hbm>> -> memref<80x128xf32, #tpu.memory_space<hbm>>
      %dma_wait3A_55 = arith.constant 0 : i32
      %dma_wait3A_56 = arith.constant 0 : i32
      %dma_wait3A_57 = tpu.memref_slice %arg3[%dma_wait3A_55, %dma_wait3A_56] : memref<640x128xf32, #tpu.memory_space<hbm>> -> memref<80x128xf32, #tpu.memory_space<hbm>>
      tpu.wait_dma2 semaphore(%run_scoped3A : memref<!tpu.dma_semaphore, #tpu.memory_space<semaphore_mem>>) src(%dma_wait3A_57 : memref<80x128xf32, #tpu.memory_space<hbm>>) dst(%arg6 : memref<80x128xf32, #tpu.memory_space<vmem>>)
      tpu.yield
    }) : () -> ()
    %iota3A = tpu.iota {dimensions = array<i32: 0>} : vector<16xi32>
    %add3A_1 = arith.constant 0 : i32
    %add3A_2 = vector.broadcast %add3A_1 : i32 to vector<16xi32>
    %add3A_3 = arith.addi %iota3A, %add3A_2 : vector<16xi32>
    %swap3A = arith.constant 0 : index
    %swap3A_4 = tpu.vector_load %arg7[%swap3A] {strides = array<i32>} : memref<80xi32, #tpu.memory_space<vmem>>, vector<16xi32>,
    tpu.vector_store %arg7[%swap3A], %add3A_3 {strides = array<i32>} : memref<80xi32, #tpu.memory_space<vmem>>, vector<16xi32>,
    %iota3A_5 = tpu.iota {dimensions = array<i32: 0>} : vector<16xi32>
    %add3A_6 = arith.constant 16 : i32
    %add3A_7 = vector.broadcast %add3A_6 : i32 to vector<16xi32>
    %add3A_8 = arith.addi %iota3A_5, %add3A_7 : vector<16xi32>
    %swap3A_9 = arith.constant 16 : index
    %swap3A_10 = tpu.vector_load %arg7[%swap3A_9] {strides = array<i32>} : memref<80xi32, #tpu.memory_space<vmem>>, vector<16xi32>,
    tpu.vector_store %arg7[%swap3A_9], %add3A_8 {strides = array<i32>} : memref<80xi32, #tpu.memory_space<vmem>>, vector<16xi32>,
    %iota3A_11 = tpu.iota {dimensions = array<i32: 0>} : vector<16xi32>
    %add3A_12 = arith.constant 32 : i32
    %add3A_13 = vector.broadcast %add3A_12 : i32 to vector<16xi32>
    %add3A_14 = arith.addi %iota3A_11, %add3A_13 : vector<16xi32>
    %swap3A_15 = arith.constant 32 : index
    %swap3A_16 = tpu.vector_load %arg7[%swap3A_15] {strides = array<i32>} : memref<80xi32, #tpu.memory_space<vmem>>, vector<16xi32>,
    tpu.vector_store %arg7[%swap3A_15], %add3A_14 {strides = array<i32>} : memref<80xi32, #tpu.memory_space<vmem>>, vector<16xi32>,
    %iota3A_17 = tpu.iota {dimensions = array<i32: 0>} : vector<16xi32>
    %add3A_18 = arith.constant 48 : i32
    %add3A_19 = vector.broadcast %add3A_18 : i32 to vector<16xi32>
    %add3A_20 = arith.addi %iota3A_17, %add3A_19 : vector<16xi32>
    %swap3A_21 = arith.constant 48 : index
    %swap3A_22 = tpu.vector_load %arg7[%swap3A_21] {strides = array<i32>} : memref<80xi32, #tpu.memory_space<vmem>>, vector<16xi32>,
    tpu.vector_store %arg7[%swap3A_21], %add3A_20 {strides = array<i32>} : memref<80xi32, #tpu.memory_space<vmem>>, vector<16xi32>,
    %iota3A_23 = tpu.iota {dimensions = array<i32: 0>} : vector<16xi32>
    %add3A_24 = arith.constant 64 : i32
    %add3A_25 = vector.broadcast %add3A_24 : i32 to vector<16xi32>
    %add3A_26 = arith.addi %iota3A_23, %add3A_25 : vector<16xi32>
    %swap3A_27 = arith.constant 64 : index
    %swap3A_28 = tpu.vector_load %arg7[%swap3A_27] {strides = array<i32>} : memref<80xi32, #tpu.memory_space<vmem>>, vector<16xi32>,
    tpu.vector_store %arg7[%swap3A_27], %add3A_26 {strides = array<i32>} : memref<80xi32, #tpu.memory_space<vmem>>, vector<16xi32>,
    %eq3A = arith.constant 0 : i32
    %eq3A_29 = arith.cmpi eq, %arg1, %eq3A : i32
    %convert_element_type3A = arith.extui %eq3A_29 : i1 to i32
    %cond3A = arith.constant 0 : i32
    %cond3A_30 = arith.cmpi ne, %convert_element_type3A, %cond3A : i32
    scf.if %cond3A_30 {
      "tpu.region"() ({
        %run_scoped3A = tpu.sem_alloc : memref<!tpu.dma_semaphore, #tpu.memory_space<semaphore_mem>>
        %dma_start3A = arith.constant 0 : i32
        %dma_start3A_48 = arith.constant 0 : i32
        %dma_start3A_49 = tpu.memref_slice %arg3[%dma_start3A, %dma_start3A_48] : memref<640x128xf32, #tpu.memory_space<hbm>> -> memref<80x128xf32, #tpu.memory_space<hbm>>
        tpu.enqueue_dma source(%dma_start3A_49 : memref<80x128xf32, #tpu.memory_space<hbm>>) target(%arg8 : memref<80x128xf32, #tpu.memory_space<vmem_shared>>) target_semaphore(%run_scoped3A : memref<!tpu.dma_semaphore, #tpu.memory_space<semaphore_mem>>)
        %dma_wait3A = arith.constant 0 : i32
        %dma_wait3A_50 = arith.constant 0 : i32
        %dma_wait3A_51 = tpu.memref_slice %arg3[%dma_wait3A, %dma_wait3A_50] : memref<640x128xf32, #tpu.memory_space<hbm>> -> memref<80x128xf32, #tpu.memory_space<hbm>>
        tpu.wait_dma2 semaphore(%run_scoped3A : memref<!tpu.dma_semaphore, #tpu.memory_space<semaphore_mem>>) src(%dma_wait3A_51 : memref<80x128xf32, #tpu.memory_space<hbm>>) dst(%arg8 : memref<80x128xf32, #tpu.memory_space<vmem_shared>>)
        tpu.yield
      }) : () -> ()
    } else {
    }
    "tpu.region"() ({
      %run_scoped3A = tpu.sem_alloc : memref<!tpu.dma_semaphore, #tpu.memory_space<semaphore_mem>>
      %dma_start3A = arith.constant 0 : i32
      %dma_start3A_48 = arith.constant 0 : i32
      %dma_start3A_49 = tpu.memref_slice %arg2[%add3A, %dma_start3A, %dma_start3A_48] : memref<32x40x128xi32, #tpu.memory_space<hbm>> -> memref<1x40x128xi32, #tpu.memory_space<hbm>>
      %dma_start3A_50 = tpu.memref_squeeze %dma_start3A_49 : memref<1x40x128xi32, #tpu.memory_space<hbm>> -> memref<40x128xi32, #tpu.memory_space<hbm>>
      %dma_start3A_51 = arith.constant 0 : i32
      %dma_start3A_52 = arith.constant 0 : i32
      %dma_start3A_53 = tpu.memref_slice %arg2[%add3A, %dma_start3A_51, %dma_start3A_52] : memref<32x40x128xi32, #tpu.memory_space<hbm>> -> memref<1x40x128xi32, #tpu.memory_space<hbm>>
      %dma_start3A_54 = tpu.memref_squeeze %dma_start3A_53 : memref<1x40x128xi32, #tpu.memory_space<hbm>> -> memref<40x128xi32, #tpu.memory_space<hbm>>
      tpu.enqueue_dma source(%dma_start3A_54 : memref<40x128xi32, #tpu.memory_space<hbm>>) target(%arg5 : memref<40x128xi32, #tpu.memory_space<vmem>>) target_semaphore(%run_scoped3A : memref<!tpu.dma_semaphore, #tpu.memory_space<semaphore_mem>>)
      %dma_wait3A = arith.constant 0 : i32
      %dma_wait3A_55 = arith.constant 0 : i32
      %dma_wait3A_56 = tpu.memref_slice %arg2[%add3A, %dma_wait3A, %dma_wait3A_55] : memref<32x40x128xi32, #tpu.memory_space<hbm>> -> memref<1x40x128xi32, #tpu.memory_space<hbm>>
      %dma_wait3A_57 = tpu.memref_squeeze %dma_wait3A_56 : memref<1x40x128xi32, #tpu.memory_space<hbm>> -> memref<40x128xi32, #tpu.memory_space<hbm>>
      %dma_wait3A_58 = arith.constant 0 : i32
      %dma_wait3A_59 = arith.constant 0 : i32
      %dma_wait3A_60 = tpu.memref_slice %arg2[%add3A, %dma_wait3A_58, %dma_wait3A_59] : memref<32x40x128xi32, #tpu.memory_space<hbm>> -> memref<1x40x128xi32, #tpu.memory_space<hbm>>
      %dma_wait3A_61 = tpu.memref_squeeze %dma_wait3A_60 : memref<1x40x128xi32, #tpu.memory_space<hbm>> -> memref<40x128xi32, #tpu.memory_space<hbm>>
      tpu.wait_dma2 semaphore(%run_scoped3A : memref<!tpu.dma_semaphore, #tpu.memory_space<semaphore_mem>>) src(%dma_wait3A_61 : memref<40x128xi32, #tpu.memory_space<hbm>>) dst(%arg5 : memref<40x128xi32, #tpu.memory_space<vmem>>)
      tpu.yield
    }) : () -> ()
    %barrier3A = arith.constant 0 : index
    tpu.barrier barrier_id(%barrier3A)
    %broadcast_in_dim3A = arith.constant 1.000000e+00 : f32
    %broadcast_in_dim3A_31 = vector.broadcast %broadcast_in_dim3A : f32 to vector<16xf32>
    %scan3A = arith.constant 0 : i32
    %scan3A_32 = arith.constant 0 : i32
    %scan3A_33 = arith.constant 40 : i32
    %scan3A_34 = arith.addi %scan3A_32, %scan3A_33 : i32
    %scan3A_35 = arith.constant 1 : i32
    scf.for %scan3A_48 = %scan3A_32 to %scan3A_34 step %scan3A_35  : i32 {
      %get3A = arith.index_cast %scan3A_48 : i32 to index
      %get3A_49 = arith.constant 0 : index
      %get3A_50 = tpu.vector_load %arg5[%get3A, %get3A_49] {strides = array<i32>} : memref<40x128xi32, #tpu.memory_space<vmem>>, vector<16xi32>,
      %shift_right_logical3A = arith.constant 7 : i32
      %shift_right_logical3A_51 = vector.broadcast %shift_right_logical3A : i32 to vector<16xi32>
      %shift_right_logical3A_52 = arith.shrui %get3A_50, %shift_right_logical3A_51 : vector<16xi32>
      %and3A = arith.constant 127 : i32
      %and3A_53 = vector.broadcast %and3A : i32 to vector<16xi32>
      %and3A_54 = arith.andi %get3A_50, %and3A_53 : vector<16xi32>
      tpu.vector_store_idx %arg6[%shift_right_logical3A_52, %and3A_54], %broadcast_in_dim3A_31 {add = true} : memref<80x128xf32, #tpu.memory_space<vmem>>[vector<16xi32>, vector<16xi32>], vector<16xf32>,
      %get3A_55 = arith.index_cast %scan3A_48 : i32 to index
      %get3A_56 = arith.constant 16 : index
      %get3A_57 = tpu.vector_load %arg5[%get3A_55, %get3A_56] {strides = array<i32>} : memref<40x128xi32, #tpu.memory_space<vmem>>, vector<16xi32>,
      %shift_right_logical3A_58 = arith.constant 7 : i32
      %shift_right_logical3A_59 = vector.broadcast %shift_right_logical3A_58 : i32 to vector<16xi32>
      %shift_right_logical3A_60 = arith.shrui %get3A_57, %shift_right_logical3A_59 : vector<16xi32>
      %and3A_61 = arith.constant 127 : i32
      %and3A_62 = vector.broadcast %and3A_61 : i32 to vector<16xi32>
      %and3A_63 = arith.andi %get3A_57, %and3A_62 : vector<16xi32>
      tpu.vector_store_idx %arg6[%shift_right_logical3A_60, %and3A_63], %broadcast_in_dim3A_31 {add = true} : memref<80x128xf32, #tpu.memory_space<vmem>>[vector<16xi32>, vector<16xi32>], vector<16xf32>,
      %get3A_64 = arith.index_cast %scan3A_48 : i32 to index
      %get3A_65 = arith.constant 32 : index
      %get3A_66 = tpu.vector_load %arg5[%get3A_64, %get3A_65] {strides = array<i32>} : memref<40x128xi32, #tpu.memory_space<vmem>>, vector<16xi32>,
      %shift_right_logical3A_67 = arith.constant 7 : i32
      %shift_right_logical3A_68 = vector.broadcast %shift_right_logical3A_67 : i32 to vector<16xi32>
      %shift_right_logical3A_69 = arith.shrui %get3A_66, %shift_right_logical3A_68 : vector<16xi32>
      %and3A_70 = arith.constant 127 : i32
      %and3A_71 = vector.broadcast %and3A_70 : i32 to vector<16xi32>
      %and3A_72 = arith.andi %get3A_66, %and3A_71 : vector<16xi32>
      tpu.vector_store_idx %arg6[%shift_right_logical3A_69, %and3A_72], %broadcast_in_dim3A_31 {add = true} : memref<80x128xf32, #tpu.memory_space<vmem>>[vector<16xi32>, vector<16xi32>], vector<16xf32>,
      %get3A_73 = arith.index_cast %scan3A_48 : i32 to index
      %get3A_74 = arith.constant 48 : index
      %get3A_75 = tpu.vector_load %arg5[%get3A_73, %get3A_74] {strides = array<i32>} : memref<40x128xi32, #tpu.memory_space<vmem>>, vector<16xi32>,
      %shift_right_logical3A_76 = arith.constant 7 : i32
      %shift_right_logical3A_77 = vector.broadcast %shift_right_logical3A_76 : i32 to vector<16xi32>
      %shift_right_logical3A_78 = arith.shrui %get3A_75, %shift_right_logical3A_77 : vector<16xi32>
      %and3A_79 = arith.constant 127 : i32
      %and3A_80 = vector.broadcast %and3A_79 : i32 to vector<16xi32>
      %and3A_81 = arith.andi %get3A_75, %and3A_80 : vector<16xi32>
      tpu.vector_store_idx %arg6[%shift_right_logical3A_78, %and3A_81], %broadcast_in_dim3A_31 {add = true} : memref<80x128xf32, #tpu.memory_space<vmem>>[vector<16xi32>, vector<16xi32>], vector<16xf32>,
      %get3A_82 = arith.index_cast %scan3A_48 : i32 to index
      %get3A_83 = arith.constant 64 : index
      %get3A_84 = tpu.vector_load %arg5[%get3A_82, %get3A_83] {strides = array<i32>} : memref<40x128xi32, #tpu.memory_space<vmem>>, vector<16xi32>,
      %shift_right_logical3A_85 = arith.constant 7 : i32
      %shift_right_logical3A_86 = vector.broadcast %shift_right_logical3A_85 : i32 to vector<16xi32>
      %shift_right_logical3A_87 = arith.shrui %get3A_84, %shift_right_logical3A_86 : vector<16xi32>
      %and3A_88 = arith.constant 127 : i32
      %and3A_89 = vector.broadcast %and3A_88 : i32 to vector<16xi32>
      %and3A_90 = arith.andi %get3A_84, %and3A_89 : vector<16xi32>
      tpu.vector_store_idx %arg6[%shift_right_logical3A_87, %and3A_90], %broadcast_in_dim3A_31 {add = true} : memref<80x128xf32, #tpu.memory_space<vmem>>[vector<16xi32>, vector<16xi32>], vector<16xf32>,
      %get3A_91 = arith.index_cast %scan3A_48 : i32 to index
      %get3A_92 = arith.constant 80 : index
      %get3A_93 = tpu.vector_load %arg5[%get3A_91, %get3A_92] {strides = array<i32>} : memref<40x128xi32, #tpu.memory_space<vmem>>, vector<16xi32>,
      %shift_right_logical3A_94 = arith.constant 7 : i32
      %shift_right_logical3A_95 = vector.broadcast %shift_right_logical3A_94 : i32 to vector<16xi32>
      %shift_right_logical3A_96 = arith.shrui %get3A_93, %shift_right_logical3A_95 : vector<16xi32>
      %and3A_97 = arith.constant 127 : i32
      %and3A_98 = vector.broadcast %and3A_97 : i32 to vector<16xi32>
      %and3A_99 = arith.andi %get3A_93, %and3A_98 : vector<16xi32>
      tpu.vector_store_idx %arg6[%shift_right_logical3A_96, %and3A_99], %broadcast_in_dim3A_31 {add = true} : memref<80x128xf32, #tpu.memory_space<vmem>>[vector<16xi32>, vector<16xi32>], vector<16xf32>,
      %get3A_100 = arith.index_cast %scan3A_48 : i32 to index
      %get3A_101 = arith.constant 96 : index
      %get3A_102 = tpu.vector_load %arg5[%get3A_100, %get3A_101] {strides = array<i32>} : memref<40x128xi32, #tpu.memory_space<vmem>>, vector<16xi32>,
      %shift_right_logical3A_103 = arith.constant 7 : i32
      %shift_right_logical3A_104 = vector.broadcast %shift_right_logical3A_103 : i32 to vector<16xi32>
      %shift_right_logical3A_105 = arith.shrui %get3A_102, %shift_right_logical3A_104 : vector<16xi32>
      %and3A_106 = arith.constant 127 : i32
      %and3A_107 = vector.broadcast %and3A_106 : i32 to vector<16xi32>
      %and3A_108 = arith.andi %get3A_102, %and3A_107 : vector<16xi32>
      tpu.vector_store_idx %arg6[%shift_right_logical3A_105, %and3A_108], %broadcast_in_dim3A_31 {add = true} : memref<80x128xf32, #tpu.memory_space<vmem>>[vector<16xi32>, vector<16xi32>], vector<16xf32>,
      %get3A_109 = arith.index_cast %scan3A_48 : i32 to index
      %get3A_110 = arith.constant 112 : index
      %get3A_111 = tpu.vector_load %arg5[%get3A_109, %get3A_110] {strides = array<i32>} : memref<40x128xi32, #tpu.memory_space<vmem>>, vector<16xi32>,
      %shift_right_logical3A_112 = arith.constant 7 : i32
      %shift_right_logical3A_113 = vector.broadcast %shift_right_logical3A_112 : i32 to vector<16xi32>
      %shift_right_logical3A_114 = arith.shrui %get3A_111, %shift_right_logical3A_113 : vector<16xi32>
      %and3A_115 = arith.constant 127 : i32
      %and3A_116 = vector.broadcast %and3A_115 : i32 to vector<16xi32>
      %and3A_117 = arith.andi %get3A_111, %and3A_116 : vector<16xi32>
      tpu.vector_store_idx %arg6[%shift_right_logical3A_114, %and3A_117], %broadcast_in_dim3A_31 {add = true} : memref<80x128xf32, #tpu.memory_space<vmem>>[vector<16xi32>, vector<16xi32>], vector<16xf32>,
    }
    %scan3A_36 = arith.constant 40 : i32
    "tpu.region"() ({
      %run_scoped3A = tpu.sem_alloc : memref<!tpu.dma_semaphore, #tpu.memory_space<semaphore_mem>>
      %dma_start3A = arith.constant 0 : i32
      %dma_start3A_48 = arith.constant 0 : i32
      %dma_start3A_49 = tpu.memref_slice %arg8[%dma_start3A, %dma_start3A_48] : memref<80x128xf32, #tpu.memory_space<vmem_shared>> -> memref<80x128xf32, #tpu.memory_space<vmem_shared>>
      tpu.enqueue_indirect_dma source(%arg6 : memref<80x128xf32, #tpu.memory_space<vmem>>) target(%dma_start3A_49 : memref<80x128xf32, #tpu.memory_space<vmem_shared>>) offsets(%arg7 : memref<80xi32, #tpu.memory_space<vmem>>) semaphore(%run_scoped3A : memref<!tpu.dma_semaphore, #tpu.memory_space<semaphore_mem>>) {add = true}
      %dma_wait3A = arith.constant 0 : i32
      %dma_wait3A_50 = arith.constant 0 : i32
      %dma_wait3A_51 = tpu.memref_slice %arg8[%dma_wait3A, %dma_wait3A_50] : memref<80x128xf32, #tpu.memory_space<vmem_shared>> -> memref<80x128xf32, #tpu.memory_space<vmem_shared>>
      tpu.wait_indirect_dma semaphore(%run_scoped3A : memref<!tpu.dma_semaphore, #tpu.memory_space<semaphore_mem>>) src(%arg6 : memref<80x128xf32, #tpu.memory_space<vmem>>) dst(%dma_wait3A_51 : memref<80x128xf32, #tpu.memory_space<vmem_shared>>)
      tpu.yield
    }) : () -> ()
    %barrier3A_37 = arith.constant 0 : index
    tpu.barrier barrier_id(%barrier3A_37)
    %mul3A_38 = arith.constant 5 : i32
    %mul3A_39 = arith.muli %arg1, %mul3A_38 : i32
    "tpu.region"() ({
      %run_scoped3A = tpu.sem_alloc : memref<!tpu.dma_semaphore, #tpu.memory_space<semaphore_mem>>
      %dma_start3A = arith.constant 0 : i32
      %dma_start3A_48 = tpu.memref_slice %arg8[%mul3A_39, %dma_start3A] : memref<80x128xf32, #tpu.memory_space<vmem_shared>> -> memref<5x128xf32, #tpu.memory_space<vmem_shared>>
      %dma_start3A_49 = arith.constant 0 : i32
      %dma_start3A_50 = tpu.memref_slice %arg8[%mul3A_39, %dma_start3A_49] : memref<80x128xf32, #tpu.memory_space<vmem_shared>> -> memref<5x128xf32, #tpu.memory_space<vmem_shared>>
      tpu.enqueue_dma source(%dma_start3A_50 : memref<5x128xf32, #tpu.memory_space<vmem_shared>>) target(%arg9 : memref<5x128xf32, #tpu.memory_space<vmem>>) target_semaphore(%run_scoped3A : memref<!tpu.dma_semaphore, #tpu.memory_space<semaphore_mem>>)
      %dma_wait3A = arith.constant 0 : i32
      %dma_wait3A_51 = tpu.memref_slice %arg8[%mul3A_39, %dma_wait3A] : memref<80x128xf32, #tpu.memory_space<vmem_shared>> -> memref<5x128xf32, #tpu.memory_space<vmem_shared>>
      %dma_wait3A_52 = arith.constant 0 : i32
      %dma_wait3A_53 = tpu.memref_slice %arg8[%mul3A_39, %dma_wait3A_52] : memref<80x128xf32, #tpu.memory_space<vmem_shared>> -> memref<5x128xf32, #tpu.memory_space<vmem_shared>>
      tpu.wait_dma2 semaphore(%run_scoped3A : memref<!tpu.dma_semaphore, #tpu.memory_space<semaphore_mem>>) src(%dma_wait3A_53 : memref<5x128xf32, #tpu.memory_space<vmem_shared>>) dst(%arg9 : memref<5x128xf32, #tpu.memory_space<vmem>>)
      tpu.yield
    }) : () -> ()
    %scan3A_40 = arith.constant 0 : i32
    %scan3A_41 = arith.constant 0 : i32
    %scan3A_42 = arith.constant 40 : i32
    %scan3A_43 = arith.addi %scan3A_41, %scan3A_42 : i32
    %scan3A_44 = arith.constant 1 : i32
    scf.for %scan3A_48 = %scan3A_41 to %scan3A_43 step %scan3A_44  : i32 {
      %jit3A = arith.constant 8 : i32
      %div3A = arith.divsi %scan3A_48, %jit3A : i32
      %sign3A = arith.constant 0 : i32
      %sign3A_49 = arith.cmpi sgt, %scan3A_48, %sign3A : i32
      %sign3A_50 = arith.extui %sign3A_49 : i1 to i32
      %sign3A_51 = arith.constant 0 : i32
      %sign3A_52 = arith.cmpi slt, %scan3A_48, %sign3A_51 : i32
      %sign3A_53 = arith.extui %sign3A_52 : i1 to i32
      %sign3A_54 = arith.subi %sign3A_50, %sign3A_53 : i32
      %sign3A_55 = arith.constant 0 : i32
      %sign3A_56 = arith.cmpi sgt, %jit3A, %sign3A_55 : i32
      %sign3A_57 = arith.extui %sign3A_56 : i1 to i32
      %sign3A_58 = arith.constant 0 : i32
      %sign3A_59 = arith.cmpi slt, %jit3A, %sign3A_58 : i32
      %sign3A_60 = arith.extui %sign3A_59 : i1 to i32
      %sign3A_61 = arith.subi %sign3A_57, %sign3A_60 : i32
      %ne3A = arith.cmpi ne, %sign3A_54, %sign3A_61 : i32
      %rem3A = arith.remsi %scan3A_48, %jit3A : i32
      %ne3A_62 = arith.constant 0 : i32
      %ne3A_63 = arith.cmpi ne, %rem3A, %ne3A_62 : i32
      %and3A = arith.andi %ne3A, %ne3A_63 : i1
      %sub3A = arith.constant 1 : i32
      %sub3A_64 = arith.subi %div3A, %sub3A : i32
      %select_n3A = arith.select %and3A, %sub3A_64, %div3A : i32
      %jit3A_65 = arith.constant 8 : i32
      %eq3A_66 = arith.constant 0 : i32
      %eq3A_67 = arith.cmpi eq, %jit3A_65, %eq3A_66 : i32
      %jit3A_68 = arith.constant 1 : i32
      %select_n3A_69 = arith.select %eq3A_67, %jit3A_68, %jit3A_65 : i32
      %rem3A_70 = arith.remsi %scan3A_48, %select_n3A_69 : i32
      %ne3A_71 = arith.constant 0 : i32
      %ne3A_72 = arith.cmpi ne, %rem3A_70, %ne3A_71 : i32
      %lt3A = arith.constant 0 : i32
      %lt3A_73 = arith.cmpi slt, %rem3A_70, %lt3A : i32
      %lt3A_74 = arith.constant 0 : i32
      %lt3A_75 = arith.cmpi slt, %select_n3A_69, %lt3A_74 : i32
      %ne3A_76 = arith.xori %lt3A_73, %lt3A_75 : i1
      %and3A_77 = arith.andi %ne3A_76, %ne3A_72 : i1
      %add3A_78 = arith.addi %rem3A_70, %select_n3A_69 : i32
      %select_n3A_79 = arith.select %and3A_77, %add3A_78, %rem3A_70 : i32
      %mul3A_80 = arith.constant 16 : i32
      %mul3A_81 = arith.muli %select_n3A_79, %mul3A_80 : i32
      %get3A = arith.index_cast %select_n3A : i32 to index
      %get3A_82 = arith.index_cast %mul3A_81 : i32 to index
      %get3A_83 = tpu.vector_load %arg9[%get3A, %get3A_82] {strides = array<i32>} : memref<5x128xf32, #tpu.memory_space<vmem>>, vector<16xf32>,
      %iota3A_84 = tpu.iota {dimensions = array<i32: 0>} : vector<16xi32>
      %mul3A_85 = arith.constant 16 : i32
      %mul3A_86 = arith.muli %mul3A_85, %scan3A_48 : i32
      %add3A_87 = vector.broadcast %mul3A_86 : i32 to vector<16xi32>
      %add3A_88 = arith.addi %iota3A_84, %add3A_87 : vector<16xi32>
      %broadcast_in_dim3A_89 = arith.constant 0 : i32
      %broadcast_in_dim3A_90 = vector.broadcast %broadcast_in_dim3A_89 : i32 to vector<16xi32>
      tpu.vector_store_idx %arg10[%add3A_88, %broadcast_in_dim3A_90], %get3A_83 : memref<640x8xf32, #tpu.memory_space<vmem>>[vector<16xi32>, vector<16xi32>], vector<16xf32>,
      %broadcast_in_dim3A_91 = arith.constant 1 : i32
      %broadcast_in_dim3A_92 = vector.broadcast %broadcast_in_dim3A_91 : i32 to vector<16xi32>
      tpu.vector_store_idx %arg10[%add3A_88, %broadcast_in_dim3A_92], %get3A_83 : memref<640x8xf32, #tpu.memory_space<vmem>>[vector<16xi32>, vector<16xi32>], vector<16xf32>,
      %broadcast_in_dim3A_93 = arith.constant 2 : i32
      %broadcast_in_dim3A_94 = vector.broadcast %broadcast_in_dim3A_93 : i32 to vector<16xi32>
      tpu.vector_store_idx %arg10[%add3A_88, %broadcast_in_dim3A_94], %get3A_83 : memref<640x8xf32, #tpu.memory_space<vmem>>[vector<16xi32>, vector<16xi32>], vector<16xf32>,
      %broadcast_in_dim3A_95 = arith.constant 3 : i32
      %broadcast_in_dim3A_96 = vector.broadcast %broadcast_in_dim3A_95 : i32 to vector<16xi32>
      tpu.vector_store_idx %arg10[%add3A_88, %broadcast_in_dim3A_96], %get3A_83 : memref<640x8xf32, #tpu.memory_space<vmem>>[vector<16xi32>, vector<16xi32>], vector<16xf32>,
      %broadcast_in_dim3A_97 = arith.constant 4 : i32
      %broadcast_in_dim3A_98 = vector.broadcast %broadcast_in_dim3A_97 : i32 to vector<16xi32>
      tpu.vector_store_idx %arg10[%add3A_88, %broadcast_in_dim3A_98], %get3A_83 : memref<640x8xf32, #tpu.memory_space<vmem>>[vector<16xi32>, vector<16xi32>], vector<16xf32>,
      %broadcast_in_dim3A_99 = arith.constant 5 : i32
      %broadcast_in_dim3A_100 = vector.broadcast %broadcast_in_dim3A_99 : i32 to vector<16xi32>
      tpu.vector_store_idx %arg10[%add3A_88, %broadcast_in_dim3A_100], %get3A_83 : memref<640x8xf32, #tpu.memory_space<vmem>>[vector<16xi32>, vector<16xi32>], vector<16xf32>,
      %broadcast_in_dim3A_101 = arith.constant 6 : i32
      %broadcast_in_dim3A_102 = vector.broadcast %broadcast_in_dim3A_101 : i32 to vector<16xi32>
      tpu.vector_store_idx %arg10[%add3A_88, %broadcast_in_dim3A_102], %get3A_83 : memref<640x8xf32, #tpu.memory_space<vmem>>[vector<16xi32>, vector<16xi32>], vector<16xf32>,
      %broadcast_in_dim3A_103 = arith.constant 7 : i32
      %broadcast_in_dim3A_104 = vector.broadcast %broadcast_in_dim3A_103 : i32 to vector<16xi32>
      tpu.vector_store_idx %arg10[%add3A_88, %broadcast_in_dim3A_104], %get3A_83 : memref<640x8xf32, #tpu.memory_space<vmem>>[vector<16xi32>, vector<16xi32>], vector<16xf32>,
    }
    %scan3A_45 = arith.constant 40 : i32
    %mul3A_46 = arith.constant 640 : i32
    %mul3A_47 = arith.muli %arg1, %mul3A_46 : i32
    "tpu.region"() ({
      %run_scoped3A = tpu.sem_alloc : memref<!tpu.dma_semaphore, #tpu.memory_space<semaphore_mem>>
      %dma_start3A = arith.constant 0 : i32
      %dma_start3A_48 = tpu.memref_slice %arg4[%arg0, %mul3A_47, %dma_start3A] : memref<2x10240x8xf32, #tpu.memory_space<hbm>> -> memref<1x640x8xf32, #tpu.memory_space<hbm>>
      %dma_start3A_49 = tpu.memref_squeeze %dma_start3A_48 : memref<1x640x8xf32, #tpu.memory_space<hbm>> -> memref<640x8xf32, #tpu.memory_space<hbm>>
      %dma_start3A_50 = arith.constant 0 : i32
      %dma_start3A_51 = tpu.memref_slice %arg4[%arg0, %mul3A_47, %dma_start3A_50] : memref<2x10240x8xf32, #tpu.memory_space<hbm>> -> memref<1x640x8xf32, #tpu.memory_space<hbm>>
      %dma_start3A_52 = tpu.memref_squeeze %dma_start3A_51 : memref<1x640x8xf32, #tpu.memory_space<hbm>> -> memref<640x8xf32, #tpu.memory_space<hbm>>
      tpu.enqueue_dma source(%arg10 : memref<640x8xf32, #tpu.memory_space<vmem>>) target(%dma_start3A_52 : memref<640x8xf32, #tpu.memory_space<hbm>>) target_semaphore(%run_scoped3A : memref<!tpu.dma_semaphore, #tpu.memory_space<semaphore_mem>>)
      %dma_wait3A = arith.constant 0 : i32
      %dma_wait3A_53 = tpu.memref_slice %arg4[%arg0, %mul3A_47, %dma_wait3A] : memref<2x10240x8xf32, #tpu.memory_space<hbm>> -> memref<1x640x8xf32, #tpu.memory_space<hbm>>
      %dma_wait3A_54 = tpu.memref_squeeze %dma_wait3A_53 : memref<1x640x8xf32, #tpu.memory_space<hbm>> -> memref<640x8xf32, #tpu.memory_space<hbm>>
      %dma_wait3A_55 = arith.constant 0 : i32
      %dma_wait3A_56 = tpu.memref_slice %arg4[%arg0, %mul3A_47, %dma_wait3A_55] : memref<2x10240x8xf32, #tpu.memory_space<hbm>> -> memref<1x640x8xf32, #tpu.memory_space<hbm>>
      %dma_wait3A_57 = tpu.memref_squeeze %dma_wait3A_56 : memref<1x640x8xf32, #tpu.memory_space<hbm>> -> memref<640x8xf32, #tpu.memory_space<hbm>>
      tpu.wait_dma2 semaphore(%run_scoped3A : memref<!tpu.dma_semaphore, #tpu.memory_space<semaphore_mem>>) src(%arg10 : memref<640x8xf32, #tpu.memory_space<vmem>>) dst(%dma_wait3A_57 : memref<640x8xf32, #tpu.memory_space<hbm>>)
      tpu.yield
    }) : () -> ()
    return
  }
}

#map = affine_map<(d0, d1) -> (0, 0)>
#map1 = affine_map<(d0, d1) -> (0, 0, 0)>
module attributes {stable_mosaic.version = 14 : i64} {
  func.func @segsum(%arg0: i32, %arg1: i32, %arg2: memref<10000x128xf32, #tpu.memory_space<hbm>>, %arg3: memref<32x40x128xi32, #tpu.memory_space<hbm>>, %arg4: memref<32x40x128xi32, #tpu.memory_space<hbm>>, %arg5: memref<640x128xf32, #tpu.memory_space<hbm>>, %arg6: memref<10240x128xf32, #tpu.memory_space<hbm>>, %arg7: memref<10240x128xf32, #tpu.memory_space<hbm>>, %arg8: memref<40x128xi32, #tpu.memory_space<vmem>>, %arg9: memref<40x128xi32, #tpu.memory_space<vmem>>, %arg10: memref<128x128xf32, #tpu.memory_space<vmem>>, %arg11: memref<128x128xf32, #tpu.memory_space<vmem>>, %arg12: memref<10240x128xf32, #tpu.memory_space<vmem_shared>>, %arg13: memref<!tpu.dma_semaphore, #tpu.memory_space<semaphore_mem>>, %arg14: memref<!tpu.dma_semaphore, #tpu.memory_space<semaphore_mem>>) attributes {dimension_semantics = [#tpu.dimension_semantics<core_parallel>, #tpu.dimension_semantics<subcore_parallel>], iteration_bounds = array<i64: 2, 16>, scalar_prefetch = 0 : i64, scratch_operands = 7 : i64, tpu.core_type = #tpu.core_type<sc_vector_subcore>, window_params = [{transform_indices = #map}, {transform_indices = #map1}, {transform_indices = #map1}, {transform_indices = #map}, {transform_indices = #map}, {transform_indices = #map}]} {
    %mul3A = arith.constant 16 : i32
    %mul3A_0 = arith.muli %arg0, %mul3A : i32
    %add3A = arith.addi %mul3A_0, %arg1 : i32
    %mul3A_1 = arith.constant 640 : i32
    %mul3A_2 = arith.muli %arg1, %mul3A_1 : i32
    "tpu.region"() ({
      %run_scoped3A = tpu.sem_alloc : memref<!tpu.dma_semaphore, #tpu.memory_space<semaphore_mem>>
      %dma_start3A_22 = arith.constant 0 : i32
      %dma_start3A_23 = tpu.memref_slice %arg12[%mul3A_2, %dma_start3A_22] : memref<10240x128xf32, #tpu.memory_space<vmem_shared>> -> memref<640x128xf32, #tpu.memory_space<vmem_shared>>
      tpu.enqueue_dma source(%arg5 : memref<640x128xf32, #tpu.memory_space<hbm>>) target(%dma_start3A_23 : memref<640x128xf32, #tpu.memory_space<vmem_shared>>) target_semaphore(%run_scoped3A : memref<!tpu.dma_semaphore, #tpu.memory_space<semaphore_mem>>)
      %dma_wait3A = arith.constant 0 : i32
      %dma_wait3A_24 = tpu.memref_slice %arg12[%mul3A_2, %dma_wait3A] : memref<10240x128xf32, #tpu.memory_space<vmem_shared>> -> memref<640x128xf32, #tpu.memory_space<vmem_shared>>
      tpu.wait_dma2 semaphore(%run_scoped3A : memref<!tpu.dma_semaphore, #tpu.memory_space<semaphore_mem>>) src(%arg5 : memref<640x128xf32, #tpu.memory_space<hbm>>) dst(%dma_wait3A_24 : memref<640x128xf32, #tpu.memory_space<vmem_shared>>)
      tpu.yield
    }) : () -> ()
    "tpu.region"() ({
      %run_scoped3A = tpu.sem_alloc : memref<!tpu.dma_semaphore, #tpu.memory_space<semaphore_mem>>
      %dma_start3A_22 = arith.constant 0 : i32
      %dma_start3A_23 = arith.constant 0 : i32
      %dma_start3A_24 = tpu.memref_slice %arg3[%add3A, %dma_start3A_22, %dma_start3A_23] : memref<32x40x128xi32, #tpu.memory_space<hbm>> -> memref<1x40x128xi32, #tpu.memory_space<hbm>>
      %dma_start3A_25 = tpu.memref_squeeze %dma_start3A_24 : memref<1x40x128xi32, #tpu.memory_space<hbm>> -> memref<40x128xi32, #tpu.memory_space<hbm>>
      %dma_start3A_26 = arith.constant 0 : i32
      %dma_start3A_27 = arith.constant 0 : i32
      %dma_start3A_28 = tpu.memref_slice %arg3[%add3A, %dma_start3A_26, %dma_start3A_27] : memref<32x40x128xi32, #tpu.memory_space<hbm>> -> memref<1x40x128xi32, #tpu.memory_space<hbm>>
      %dma_start3A_29 = tpu.memref_squeeze %dma_start3A_28 : memref<1x40x128xi32, #tpu.memory_space<hbm>> -> memref<40x128xi32, #tpu.memory_space<hbm>>
      tpu.enqueue_dma source(%dma_start3A_29 : memref<40x128xi32, #tpu.memory_space<hbm>>) target(%arg8 : memref<40x128xi32, #tpu.memory_space<vmem>>) target_semaphore(%run_scoped3A : memref<!tpu.dma_semaphore, #tpu.memory_space<semaphore_mem>>)
      %dma_wait3A = arith.constant 0 : i32
      %dma_wait3A_30 = arith.constant 0 : i32
      %dma_wait3A_31 = tpu.memref_slice %arg3[%add3A, %dma_wait3A, %dma_wait3A_30] : memref<32x40x128xi32, #tpu.memory_space<hbm>> -> memref<1x40x128xi32, #tpu.memory_space<hbm>>
      %dma_wait3A_32 = tpu.memref_squeeze %dma_wait3A_31 : memref<1x40x128xi32, #tpu.memory_space<hbm>> -> memref<40x128xi32, #tpu.memory_space<hbm>>
      %dma_wait3A_33 = arith.constant 0 : i32
      %dma_wait3A_34 = arith.constant 0 : i32
      %dma_wait3A_35 = tpu.memref_slice %arg3[%add3A, %dma_wait3A_33, %dma_wait3A_34] : memref<32x40x128xi32, #tpu.memory_space<hbm>> -> memref<1x40x128xi32, #tpu.memory_space<hbm>>
      %dma_wait3A_36 = tpu.memref_squeeze %dma_wait3A_35 : memref<1x40x128xi32, #tpu.memory_space<hbm>> -> memref<40x128xi32, #tpu.memory_space<hbm>>
      tpu.wait_dma2 semaphore(%run_scoped3A : memref<!tpu.dma_semaphore, #tpu.memory_space<semaphore_mem>>) src(%dma_wait3A_36 : memref<40x128xi32, #tpu.memory_space<hbm>>) dst(%arg8 : memref<40x128xi32, #tpu.memory_space<vmem>>)
      tpu.yield
    }) : () -> ()
    "tpu.region"() ({
      %run_scoped3A = tpu.sem_alloc : memref<!tpu.dma_semaphore, #tpu.memory_space<semaphore_mem>>
      %dma_start3A_22 = arith.constant 0 : i32
      %dma_start3A_23 = arith.constant 0 : i32
      %dma_start3A_24 = tpu.memref_slice %arg4[%add3A, %dma_start3A_22, %dma_start3A_23] : memref<32x40x128xi32, #tpu.memory_space<hbm>> -> memref<1x40x128xi32, #tpu.memory_space<hbm>>
      %dma_start3A_25 = tpu.memref_squeeze %dma_start3A_24 : memref<1x40x128xi32, #tpu.memory_space<hbm>> -> memref<40x128xi32, #tpu.memory_space<hbm>>
      %dma_start3A_26 = arith.constant 0 : i32
      %dma_start3A_27 = arith.constant 0 : i32
      %dma_start3A_28 = tpu.memref_slice %arg4[%add3A, %dma_start3A_26, %dma_start3A_27] : memref<32x40x128xi32, #tpu.memory_space<hbm>> -> memref<1x40x128xi32, #tpu.memory_space<hbm>>
      %dma_start3A_29 = tpu.memref_squeeze %dma_start3A_28 : memref<1x40x128xi32, #tpu.memory_space<hbm>> -> memref<40x128xi32, #tpu.memory_space<hbm>>
      tpu.enqueue_dma source(%dma_start3A_29 : memref<40x128xi32, #tpu.memory_space<hbm>>) target(%arg9 : memref<40x128xi32, #tpu.memory_space<vmem>>) target_semaphore(%run_scoped3A : memref<!tpu.dma_semaphore, #tpu.memory_space<semaphore_mem>>)
      %dma_wait3A = arith.constant 0 : i32
      %dma_wait3A_30 = arith.constant 0 : i32
      %dma_wait3A_31 = tpu.memref_slice %arg4[%add3A, %dma_wait3A, %dma_wait3A_30] : memref<32x40x128xi32, #tpu.memory_space<hbm>> -> memref<1x40x128xi32, #tpu.memory_space<hbm>>
      %dma_wait3A_32 = tpu.memref_squeeze %dma_wait3A_31 : memref<1x40x128xi32, #tpu.memory_space<hbm>> -> memref<40x128xi32, #tpu.memory_space<hbm>>
      %dma_wait3A_33 = arith.constant 0 : i32
      %dma_wait3A_34 = arith.constant 0 : i32
      %dma_wait3A_35 = tpu.memref_slice %arg4[%add3A, %dma_wait3A_33, %dma_wait3A_34] : memref<32x40x128xi32, #tpu.memory_space<hbm>> -> memref<1x40x128xi32, #tpu.memory_space<hbm>>
      %dma_wait3A_36 = tpu.memref_squeeze %dma_wait3A_35 : memref<1x40x128xi32, #tpu.memory_space<hbm>> -> memref<40x128xi32, #tpu.memory_space<hbm>>
      tpu.wait_dma2 semaphore(%run_scoped3A : memref<!tpu.dma_semaphore, #tpu.memory_space<semaphore_mem>>) src(%dma_wait3A_36 : memref<40x128xi32, #tpu.memory_space<hbm>>) dst(%arg9 : memref<40x128xi32, #tpu.memory_space<vmem>>)
      tpu.yield
    }) : () -> ()
    %barrier3A = arith.constant 0 : index
    tpu.barrier barrier_id(%barrier3A)
    %dma_start3A = arith.constant 0 : i32
    %dma_start3A_3 = arith.constant 0 : i32
    %dma_start3A_4 = tpu.memref_slice %arg8[%dma_start3A, %dma_start3A_3] : memref<40x128xi32, #tpu.memory_space<vmem>> -> memref<1x128xi32, #tpu.memory_space<vmem>>
    %dma_start3A_5 = tpu.memref_squeeze %dma_start3A_4 : memref<1x128xi32, #tpu.memory_space<vmem>> -> memref<128xi32, #tpu.memory_space<vmem>>
    %dma_start3A_6 = arith.constant 0 : i32
    %dma_start3A_7 = arith.constant 0 : i32
    %dma_start3A_8 = tpu.memref_slice %arg2[%dma_start3A_6, %dma_start3A_7] : memref<10000x128xf32, #tpu.memory_space<hbm>> -> memref<10000x128xf32, #tpu.memory_space<hbm>>
    tpu.enqueue_indirect_dma source(%dma_start3A_8 : memref<10000x128xf32, #tpu.memory_space<hbm>>) target(%arg10 : memref<128x128xf32, #tpu.memory_space<vmem>>) offsets(%dma_start3A_5 : memref<128xi32, #tpu.memory_space<vmem>>) semaphore(%arg13 : memref<!tpu.dma_semaphore, #tpu.memory_space<semaphore_mem>>)
    %scan3A = arith.constant 0 : i32
    %scan3A_9 = arith.constant 0 : i32
    %scan3A_10 = arith.constant 20 : i32
    %scan3A_11 = arith.addi %scan3A_9, %scan3A_10 : i32
    %scan3A_12 = arith.constant 1 : i32
    scf.for %scan3A_22 = %scan3A_9 to %scan3A_11 step %scan3A_12  : i32 {
      %mul3A_23 = arith.constant 2 : i32
      %mul3A_24 = arith.muli %mul3A_23, %scan3A_22 : i32
      %add3A_25 = arith.constant 1 : i32
      %add3A_26 = arith.addi %mul3A_24, %add3A_25 : i32
      %dma_start3A_27 = arith.constant 0 : i32
      %dma_start3A_28 = tpu.memref_slice %arg8[%add3A_26, %dma_start3A_27] : memref<40x128xi32, #tpu.memory_space<vmem>> -> memref<1x128xi32, #tpu.memory_space<vmem>>
      %dma_start3A_29 = tpu.memref_squeeze %dma_start3A_28 : memref<1x128xi32, #tpu.memory_space<vmem>> -> memref<128xi32, #tpu.memory_space<vmem>>
      %dma_start3A_30 = arith.constant 0 : i32
      %dma_start3A_31 = arith.constant 0 : i32
      %dma_start3A_32 = tpu.memref_slice %arg2[%dma_start3A_30, %dma_start3A_31] : memref<10000x128xf32, #tpu.memory_space<hbm>> -> memref<10000x128xf32, #tpu.memory_space<hbm>>
      tpu.enqueue_indirect_dma source(%dma_start3A_32 : memref<10000x128xf32, #tpu.memory_space<hbm>>) target(%arg11 : memref<128x128xf32, #tpu.memory_space<vmem>>) offsets(%dma_start3A_29 : memref<128xi32, #tpu.memory_space<vmem>>) semaphore(%arg14 : memref<!tpu.dma_semaphore, #tpu.memory_space<semaphore_mem>>)
      %dma_wait3A = arith.constant 0 : i32
      %dma_wait3A_33 = tpu.memref_slice %arg8[%mul3A_24, %dma_wait3A] : memref<40x128xi32, #tpu.memory_space<vmem>> -> memref<1x128xi32, #tpu.memory_space<vmem>>
      %dma_wait3A_34 = tpu.memref_squeeze %dma_wait3A_33 : memref<1x128xi32, #tpu.memory_space<vmem>> -> memref<128xi32, #tpu.memory_space<vmem>>
      %dma_wait3A_35 = arith.constant 0 : i32
      %dma_wait3A_36 = arith.constant 0 : i32
      %dma_wait3A_37 = tpu.memref_slice %arg2[%dma_wait3A_35, %dma_wait3A_36] : memref<10000x128xf32, #tpu.memory_space<hbm>> -> memref<10000x128xf32, #tpu.memory_space<hbm>>
      tpu.wait_indirect_dma semaphore(%arg13 : memref<!tpu.dma_semaphore, #tpu.memory_space<semaphore_mem>>) src(%dma_wait3A_37 : memref<10000x128xf32, #tpu.memory_space<hbm>>) dst(%arg10 : memref<128x128xf32, #tpu.memory_space<vmem>>)
      "tpu.region"() ({
        %run_scoped3A = tpu.sem_alloc : memref<!tpu.dma_semaphore, #tpu.memory_space<semaphore_mem>>
        %dma_start3A_52 = arith.constant 0 : i32
        %dma_start3A_53 = tpu.memref_slice %arg9[%mul3A_24, %dma_start3A_52] : memref<40x128xi32, #tpu.memory_space<vmem>> -> memref<1x128xi32, #tpu.memory_space<vmem>>
        %dma_start3A_54 = tpu.memref_squeeze %dma_start3A_53 : memref<1x128xi32, #tpu.memory_space<vmem>> -> memref<128xi32, #tpu.memory_space<vmem>>
        %dma_start3A_55 = arith.constant 0 : i32
        %dma_start3A_56 = arith.constant 0 : i32
        %dma_start3A_57 = tpu.memref_slice %arg12[%dma_start3A_55, %dma_start3A_56] : memref<10240x128xf32, #tpu.memory_space<vmem_shared>> -> memref<10240x128xf32, #tpu.memory_space<vmem_shared>>
        tpu.enqueue_indirect_dma source(%arg10 : memref<128x128xf32, #tpu.memory_space<vmem>>) target(%dma_start3A_57 : memref<10240x128xf32, #tpu.memory_space<vmem_shared>>) offsets(%dma_start3A_54 : memref<128xi32, #tpu.memory_space<vmem>>) semaphore(%run_scoped3A : memref<!tpu.dma_semaphore, #tpu.memory_space<semaphore_mem>>) {add = true}
        %dma_wait3A_58 = arith.constant 0 : i32
        %dma_wait3A_59 = tpu.memref_slice %arg9[%mul3A_24, %dma_wait3A_58] : memref<40x128xi32, #tpu.memory_space<vmem>> -> memref<1x128xi32, #tpu.memory_space<vmem>>
        %dma_wait3A_60 = tpu.memref_squeeze %dma_wait3A_59 : memref<1x128xi32, #tpu.memory_space<vmem>> -> memref<128xi32, #tpu.memory_space<vmem>>
        %dma_wait3A_61 = arith.constant 0 : i32
        %dma_wait3A_62 = arith.constant 0 : i32
        %dma_wait3A_63 = tpu.memref_slice %arg12[%dma_wait3A_61, %dma_wait3A_62] : memref<10240x128xf32, #tpu.memory_space<vmem_shared>> -> memref<10240x128xf32, #tpu.memory_space<vmem_shared>>
        tpu.wait_indirect_dma semaphore(%run_scoped3A : memref<!tpu.dma_semaphore, #tpu.memory_space<semaphore_mem>>) src(%arg10 : memref<128x128xf32, #tpu.memory_space<vmem>>) dst(%dma_wait3A_63 : memref<10240x128xf32, #tpu.memory_space<vmem_shared>>)
        tpu.yield
      }) : () -> ()
      %lt3A = arith.constant 19 : i32
      %lt3A_38 = arith.cmpi slt, %scan3A_22, %lt3A : i32
      %convert_element_type3A_39 = arith.extui %lt3A_38 : i1 to i32
      %cond3A_40 = arith.constant 0 : i32
      %cond3A_41 = arith.cmpi ne, %convert_element_type3A_39, %cond3A_40 : i32
      scf.if %cond3A_41 {
        %add3A_52 = arith.constant 2 : i32
        %add3A_53 = arith.addi %mul3A_24, %add3A_52 : i32
        %dma_start3A_54 = arith.constant 0 : i32
        %dma_start3A_55 = tpu.memref_slice %arg8[%add3A_53, %dma_start3A_54] : memref<40x128xi32, #tpu.memory_space<vmem>> -> memref<1x128xi32, #tpu.memory_space<vmem>>
        %dma_start3A_56 = tpu.memref_squeeze %dma_start3A_55 : memref<1x128xi32, #tpu.memory_space<vmem>> -> memref<128xi32, #tpu.memory_space<vmem>>
        %dma_start3A_57 = arith.constant 0 : i32
        %dma_start3A_58 = arith.constant 0 : i32
        %dma_start3A_59 = tpu.memref_slice %arg2[%dma_start3A_57, %dma_start3A_58] : memref<10000x128xf32, #tpu.memory_space<hbm>> -> memref<10000x128xf32, #tpu.memory_space<hbm>>
        tpu.enqueue_indirect_dma source(%dma_start3A_59 : memref<10000x128xf32, #tpu.memory_space<hbm>>) target(%arg10 : memref<128x128xf32, #tpu.memory_space<vmem>>) offsets(%dma_start3A_56 : memref<128xi32, #tpu.memory_space<vmem>>) semaphore(%arg13 : memref<!tpu.dma_semaphore, #tpu.memory_space<semaphore_mem>>)
      } else {
      }
      %add3A_42 = arith.constant 1 : i32
      %add3A_43 = arith.addi %mul3A_24, %add3A_42 : i32
      %dma_wait3A_44 = arith.constant 0 : i32
      %dma_wait3A_45 = tpu.memref_slice %arg8[%add3A_43, %dma_wait3A_44] : memref<40x128xi32, #tpu.memory_space<vmem>> -> memref<1x128xi32, #tpu.memory_space<vmem>>
      %dma_wait3A_46 = tpu.memref_squeeze %dma_wait3A_45 : memref<1x128xi32, #tpu.memory_space<vmem>> -> memref<128xi32, #tpu.memory_space<vmem>>
      %dma_wait3A_47 = arith.constant 0 : i32
      %dma_wait3A_48 = arith.constant 0 : i32
      %dma_wait3A_49 = tpu.memref_slice %arg2[%dma_wait3A_47, %dma_wait3A_48] : memref<10000x128xf32, #tpu.memory_space<hbm>> -> memref<10000x128xf32, #tpu.memory_space<hbm>>
      tpu.wait_indirect_dma semaphore(%arg14 : memref<!tpu.dma_semaphore, #tpu.memory_space<semaphore_mem>>) src(%dma_wait3A_49 : memref<10000x128xf32, #tpu.memory_space<hbm>>) dst(%arg11 : memref<128x128xf32, #tpu.memory_space<vmem>>)
      %add3A_50 = arith.constant 1 : i32
      %add3A_51 = arith.addi %mul3A_24, %add3A_50 : i32
      "tpu.region"() ({
        %run_scoped3A = tpu.sem_alloc : memref<!tpu.dma_semaphore, #tpu.memory_space<semaphore_mem>>
        %dma_start3A_52 = arith.constant 0 : i32
        %dma_start3A_53 = tpu.memref_slice %arg9[%add3A_51, %dma_start3A_52] : memref<40x128xi32, #tpu.memory_space<vmem>> -> memref<1x128xi32, #tpu.memory_space<vmem>>
        %dma_start3A_54 = tpu.memref_squeeze %dma_start3A_53 : memref<1x128xi32, #tpu.memory_space<vmem>> -> memref<128xi32, #tpu.memory_space<vmem>>
        %dma_start3A_55 = arith.constant 0 : i32
        %dma_start3A_56 = arith.constant 0 : i32
        %dma_start3A_57 = tpu.memref_slice %arg12[%dma_start3A_55, %dma_start3A_56] : memref<10240x128xf32, #tpu.memory_space<vmem_shared>> -> memref<10240x128xf32, #tpu.memory_space<vmem_shared>>
        tpu.enqueue_indirect_dma source(%arg11 : memref<128x128xf32, #tpu.memory_space<vmem>>) target(%dma_start3A_57 : memref<10240x128xf32, #tpu.memory_space<vmem_shared>>) offsets(%dma_start3A_54 : memref<128xi32, #tpu.memory_space<vmem>>) semaphore(%run_scoped3A : memref<!tpu.dma_semaphore, #tpu.memory_space<semaphore_mem>>) {add = true}
        %dma_wait3A_58 = arith.constant 0 : i32
        %dma_wait3A_59 = tpu.memref_slice %arg9[%add3A_51, %dma_wait3A_58] : memref<40x128xi32, #tpu.memory_space<vmem>> -> memref<1x128xi32, #tpu.memory_space<vmem>>
        %dma_wait3A_60 = tpu.memref_squeeze %dma_wait3A_59 : memref<1x128xi32, #tpu.memory_space<vmem>> -> memref<128xi32, #tpu.memory_space<vmem>>
        %dma_wait3A_61 = arith.constant 0 : i32
        %dma_wait3A_62 = arith.constant 0 : i32
        %dma_wait3A_63 = tpu.memref_slice %arg12[%dma_wait3A_61, %dma_wait3A_62] : memref<10240x128xf32, #tpu.memory_space<vmem_shared>> -> memref<10240x128xf32, #tpu.memory_space<vmem_shared>>
        tpu.wait_indirect_dma semaphore(%run_scoped3A : memref<!tpu.dma_semaphore, #tpu.memory_space<semaphore_mem>>) src(%arg11 : memref<128x128xf32, #tpu.memory_space<vmem>>) dst(%dma_wait3A_63 : memref<10240x128xf32, #tpu.memory_space<vmem_shared>>)
        tpu.yield
      }) : () -> ()
    }
    %scan3A_13 = arith.constant 20 : i32
    %barrier3A_14 = arith.constant 0 : index
    tpu.barrier barrier_id(%barrier3A_14)
    %eq3A = arith.constant 0 : i32
    %eq3A_15 = arith.cmpi eq, %arg0, %eq3A : i32
    %convert_element_type3A = arith.extui %eq3A_15 : i1 to i32
    %cond3A = arith.constant 0 : i32
    %cond3A_16 = arith.cmpi ne, %convert_element_type3A, %cond3A : i32
    scf.if %cond3A_16 {
      %mul3A_22 = arith.constant 640 : i32
      %mul3A_23 = arith.muli %arg1, %mul3A_22 : i32
      %mul3A_24 = arith.constant 640 : i32
      %mul3A_25 = arith.muli %arg1, %mul3A_24 : i32
      "tpu.region"() ({
        %run_scoped3A = tpu.sem_alloc : memref<!tpu.dma_semaphore, #tpu.memory_space<semaphore_mem>>
        %dma_start3A_26 = arith.constant 0 : i32
        %dma_start3A_27 = tpu.memref_slice %arg6[%mul3A_25, %dma_start3A_26] : memref<10240x128xf32, #tpu.memory_space<hbm>> -> memref<640x128xf32, #tpu.memory_space<hbm>>
        %dma_start3A_28 = arith.constant 0 : i32
        %dma_start3A_29 = tpu.memref_slice %arg12[%mul3A_23, %dma_start3A_28] : memref<10240x128xf32, #tpu.memory_space<vmem_shared>> -> memref<640x128xf32, #tpu.memory_space<vmem_shared>>
        tpu.enqueue_dma source(%dma_start3A_29 : memref<640x128xf32, #tpu.memory_space<vmem_shared>>) target(%dma_start3A_27 : memref<640x128xf32, #tpu.memory_space<hbm>>) target_semaphore(%run_scoped3A : memref<!tpu.dma_semaphore, #tpu.memory_space<semaphore_mem>>)
        %dma_wait3A = arith.constant 0 : i32
        %dma_wait3A_30 = tpu.memref_slice %arg6[%mul3A_25, %dma_wait3A] : memref<10240x128xf32, #tpu.memory_space<hbm>> -> memref<640x128xf32, #tpu.memory_space<hbm>>
        %dma_wait3A_31 = arith.constant 0 : i32
        %dma_wait3A_32 = tpu.memref_slice %arg12[%mul3A_23, %dma_wait3A_31] : memref<10240x128xf32, #tpu.memory_space<vmem_shared>> -> memref<640x128xf32, #tpu.memory_space<vmem_shared>>
        tpu.wait_dma2 semaphore(%run_scoped3A : memref<!tpu.dma_semaphore, #tpu.memory_space<semaphore_mem>>) src(%dma_wait3A_32 : memref<640x128xf32, #tpu.memory_space<vmem_shared>>) dst(%dma_wait3A_30 : memref<640x128xf32, #tpu.memory_space<hbm>>)
        tpu.yield
      }) : () -> ()
    } else {
    }
    %eq3A_17 = arith.constant 1 : i32
    %eq3A_18 = arith.cmpi eq, %arg0, %eq3A_17 : i32
    %convert_element_type3A_19 = arith.extui %eq3A_18 : i1 to i32
    %cond3A_20 = arith.constant 0 : i32
    %cond3A_21 = arith.cmpi ne, %convert_element_type3A_19, %cond3A_20 : i32
    scf.if %cond3A_21 {
      %mul3A_22 = arith.constant 640 : i32
      %mul3A_23 = arith.muli %arg1, %mul3A_22 : i32
      %mul3A_24 = arith.constant 640 : i32
      %mul3A_25 = arith.muli %arg1, %mul3A_24 : i32
      "tpu.region"() ({
        %run_scoped3A = tpu.sem_alloc : memref<!tpu.dma_semaphore, #tpu.memory_space<semaphore_mem>>
        %dma_start3A_26 = arith.constant 0 : i32
        %dma_start3A_27 = tpu.memref_slice %arg7[%mul3A_25, %dma_start3A_26] : memref<10240x128xf32, #tpu.memory_space<hbm>> -> memref<640x128xf32, #tpu.memory_space<hbm>>
        %dma_start3A_28 = arith.constant 0 : i32
        %dma_start3A_29 = tpu.memref_slice %arg12[%mul3A_23, %dma_start3A_28] : memref<10240x128xf32, #tpu.memory_space<vmem_shared>> -> memref<640x128xf32, #tpu.memory_space<vmem_shared>>
        tpu.enqueue_dma source(%dma_start3A_29 : memref<640x128xf32, #tpu.memory_space<vmem_shared>>) target(%dma_start3A_27 : memref<640x128xf32, #tpu.memory_space<hbm>>) target_semaphore(%run_scoped3A : memref<!tpu.dma_semaphore, #tpu.memory_space<semaphore_mem>>)
        %dma_wait3A = arith.constant 0 : i32
        %dma_wait3A_30 = tpu.memref_slice %arg7[%mul3A_25, %dma_wait3A] : memref<10240x128xf32, #tpu.memory_space<hbm>> -> memref<640x128xf32, #tpu.memory_space<hbm>>
        %dma_wait3A_31 = arith.constant 0 : i32
        %dma_wait3A_32 = tpu.memref_slice %arg12[%mul3A_23, %dma_wait3A_31] : memref<10240x128xf32, #tpu.memory_space<vmem_shared>> -> memref<640x128xf32, #tpu.memory_space<vmem_shared>>
        tpu.wait_dma2 semaphore(%run_scoped3A : memref<!tpu.dma_semaphore, #tpu.memory_space<semaphore_mem>>) src(%dma_wait3A_32 : memref<640x128xf32, #tpu.memory_space<vmem_shared>>) dst(%dma_wait3A_30 : memref<640x128xf32, #tpu.memory_space<hbm>>)
        tpu.yield
      }) : () -> ()
    } else {
    }
    return
  }
}

#map = affine_map<(d0, d1) -> (0, 0)>
#map1 = affine_map<(d0, d1) -> (0, 0, 0)>
module attributes {stable_mosaic.version = 14 : i64} {
  func.func @segsum(%arg0: i32, %arg1: i32, %arg2: memref<10000x128xf32, #tpu.memory_space<hbm>>, %arg3: memref<32x40x128xi32, #tpu.memory_space<hbm>>, %arg4: memref<32x40x128xi32, #tpu.memory_space<hbm>>, %arg5: memref<640x128xf32, #tpu.memory_space<hbm>>, %arg6: memref<10240x128xf32, #tpu.memory_space<hbm>>, %arg7: memref<10240x128xf32, #tpu.memory_space<hbm>>, %arg8: memref<40x128xi32, #tpu.memory_space<vmem>>, %arg9: memref<40x128xi32, #tpu.memory_space<vmem>>, %arg10: memref<128x128xf32, #tpu.memory_space<vmem>>, %arg11: memref<128x128xf32, #tpu.memory_space<vmem>>, %arg12: memref<10240x128xf32, #tpu.memory_space<vmem_shared>>, %arg13: memref<!tpu.dma_semaphore, #tpu.memory_space<semaphore_mem>>, %arg14: memref<!tpu.dma_semaphore, #tpu.memory_space<semaphore_mem>>) attributes {dimension_semantics = [#tpu.dimension_semantics<core_parallel>, #tpu.dimension_semantics<subcore_parallel>], iteration_bounds = array<i64: 2, 16>, scalar_prefetch = 0 : i64, scratch_operands = 7 : i64, tpu.core_type = #tpu.core_type<sc_vector_subcore>, window_params = [{transform_indices = #map}, {transform_indices = #map1}, {transform_indices = #map1}, {transform_indices = #map}, {transform_indices = #map}, {transform_indices = #map}]} {
    %mul3A = arith.constant 16 : i32
    %mul3A_0 = arith.muli %arg0, %mul3A : i32
    %add3A = arith.addi %mul3A_0, %arg1 : i32
    %mul3A_1 = arith.constant 640 : i32
    %mul3A_2 = arith.muli %arg1, %mul3A_1 : i32
    "tpu.region"() ({
      %run_scoped3A = tpu.sem_alloc : memref<!tpu.dma_semaphore, #tpu.memory_space<semaphore_mem>>
      %dma_start3A_22 = arith.constant 0 : i32
      %dma_start3A_23 = tpu.memref_slice %arg12[%mul3A_2, %dma_start3A_22] : memref<10240x128xf32, #tpu.memory_space<vmem_shared>> -> memref<640x128xf32, #tpu.memory_space<vmem_shared>>
      tpu.enqueue_dma source(%arg5 : memref<640x128xf32, #tpu.memory_space<hbm>>) target(%dma_start3A_23 : memref<640x128xf32, #tpu.memory_space<vmem_shared>>) target_semaphore(%run_scoped3A : memref<!tpu.dma_semaphore, #tpu.memory_space<semaphore_mem>>)
      %dma_wait3A = arith.constant 0 : i32
      %dma_wait3A_24 = tpu.memref_slice %arg12[%mul3A_2, %dma_wait3A] : memref<10240x128xf32, #tpu.memory_space<vmem_shared>> -> memref<640x128xf32, #tpu.memory_space<vmem_shared>>
      tpu.wait_dma2 semaphore(%run_scoped3A : memref<!tpu.dma_semaphore, #tpu.memory_space<semaphore_mem>>) src(%arg5 : memref<640x128xf32, #tpu.memory_space<hbm>>) dst(%dma_wait3A_24 : memref<640x128xf32, #tpu.memory_space<vmem_shared>>)
      tpu.yield
    }) : () -> ()
    "tpu.region"() ({
      %run_scoped3A = tpu.sem_alloc : memref<!tpu.dma_semaphore, #tpu.memory_space<semaphore_mem>>
      %dma_start3A_22 = arith.constant 0 : i32
      %dma_start3A_23 = arith.constant 0 : i32
      %dma_start3A_24 = tpu.memref_slice %arg3[%add3A, %dma_start3A_22, %dma_start3A_23] : memref<32x40x128xi32, #tpu.memory_space<hbm>> -> memref<1x40x128xi32, #tpu.memory_space<hbm>>
      %dma_start3A_25 = tpu.memref_squeeze %dma_start3A_24 : memref<1x40x128xi32, #tpu.memory_space<hbm>> -> memref<40x128xi32, #tpu.memory_space<hbm>>
      %dma_start3A_26 = arith.constant 0 : i32
      %dma_start3A_27 = arith.constant 0 : i32
      %dma_start3A_28 = tpu.memref_slice %arg3[%add3A, %dma_start3A_26, %dma_start3A_27] : memref<32x40x128xi32, #tpu.memory_space<hbm>> -> memref<1x40x128xi32, #tpu.memory_space<hbm>>
      %dma_start3A_29 = tpu.memref_squeeze %dma_start3A_28 : memref<1x40x128xi32, #tpu.memory_space<hbm>> -> memref<40x128xi32, #tpu.memory_space<hbm>>
      tpu.enqueue_dma source(%dma_start3A_29 : memref<40x128xi32, #tpu.memory_space<hbm>>) target(%arg8 : memref<40x128xi32, #tpu.memory_space<vmem>>) target_semaphore(%run_scoped3A : memref<!tpu.dma_semaphore, #tpu.memory_space<semaphore_mem>>)
      %dma_wait3A = arith.constant 0 : i32
      %dma_wait3A_30 = arith.constant 0 : i32
      %dma_wait3A_31 = tpu.memref_slice %arg3[%add3A, %dma_wait3A, %dma_wait3A_30] : memref<32x40x128xi32, #tpu.memory_space<hbm>> -> memref<1x40x128xi32, #tpu.memory_space<hbm>>
      %dma_wait3A_32 = tpu.memref_squeeze %dma_wait3A_31 : memref<1x40x128xi32, #tpu.memory_space<hbm>> -> memref<40x128xi32, #tpu.memory_space<hbm>>
      %dma_wait3A_33 = arith.constant 0 : i32
      %dma_wait3A_34 = arith.constant 0 : i32
      %dma_wait3A_35 = tpu.memref_slice %arg3[%add3A, %dma_wait3A_33, %dma_wait3A_34] : memref<32x40x128xi32, #tpu.memory_space<hbm>> -> memref<1x40x128xi32, #tpu.memory_space<hbm>>
      %dma_wait3A_36 = tpu.memref_squeeze %dma_wait3A_35 : memref<1x40x128xi32, #tpu.memory_space<hbm>> -> memref<40x128xi32, #tpu.memory_space<hbm>>
      tpu.wait_dma2 semaphore(%run_scoped3A : memref<!tpu.dma_semaphore, #tpu.memory_space<semaphore_mem>>) src(%dma_wait3A_36 : memref<40x128xi32, #tpu.memory_space<hbm>>) dst(%arg8 : memref<40x128xi32, #tpu.memory_space<vmem>>)
      tpu.yield
    }) : () -> ()
    "tpu.region"() ({
      %run_scoped3A = tpu.sem_alloc : memref<!tpu.dma_semaphore, #tpu.memory_space<semaphore_mem>>
      %dma_start3A_22 = arith.constant 0 : i32
      %dma_start3A_23 = arith.constant 0 : i32
      %dma_start3A_24 = tpu.memref_slice %arg4[%add3A, %dma_start3A_22, %dma_start3A_23] : memref<32x40x128xi32, #tpu.memory_space<hbm>> -> memref<1x40x128xi32, #tpu.memory_space<hbm>>
      %dma_start3A_25 = tpu.memref_squeeze %dma_start3A_24 : memref<1x40x128xi32, #tpu.memory_space<hbm>> -> memref<40x128xi32, #tpu.memory_space<hbm>>
      %dma_start3A_26 = arith.constant 0 : i32
      %dma_start3A_27 = arith.constant 0 : i32
      %dma_start3A_28 = tpu.memref_slice %arg4[%add3A, %dma_start3A_26, %dma_start3A_27] : memref<32x40x128xi32, #tpu.memory_space<hbm>> -> memref<1x40x128xi32, #tpu.memory_space<hbm>>
      %dma_start3A_29 = tpu.memref_squeeze %dma_start3A_28 : memref<1x40x128xi32, #tpu.memory_space<hbm>> -> memref<40x128xi32, #tpu.memory_space<hbm>>
      tpu.enqueue_dma source(%dma_start3A_29 : memref<40x128xi32, #tpu.memory_space<hbm>>) target(%arg9 : memref<40x128xi32, #tpu.memory_space<vmem>>) target_semaphore(%run_scoped3A : memref<!tpu.dma_semaphore, #tpu.memory_space<semaphore_mem>>)
      %dma_wait3A = arith.constant 0 : i32
      %dma_wait3A_30 = arith.constant 0 : i32
      %dma_wait3A_31 = tpu.memref_slice %arg4[%add3A, %dma_wait3A, %dma_wait3A_30] : memref<32x40x128xi32, #tpu.memory_space<hbm>> -> memref<1x40x128xi32, #tpu.memory_space<hbm>>
      %dma_wait3A_32 = tpu.memref_squeeze %dma_wait3A_31 : memref<1x40x128xi32, #tpu.memory_space<hbm>> -> memref<40x128xi32, #tpu.memory_space<hbm>>
      %dma_wait3A_33 = arith.constant 0 : i32
      %dma_wait3A_34 = arith.constant 0 : i32
      %dma_wait3A_35 = tpu.memref_slice %arg4[%add3A, %dma_wait3A_33, %dma_wait3A_34] : memref<32x40x128xi32, #tpu.memory_space<hbm>> -> memref<1x40x128xi32, #tpu.memory_space<hbm>>
      %dma_wait3A_36 = tpu.memref_squeeze %dma_wait3A_35 : memref<1x40x128xi32, #tpu.memory_space<hbm>> -> memref<40x128xi32, #tpu.memory_space<hbm>>
      tpu.wait_dma2 semaphore(%run_scoped3A : memref<!tpu.dma_semaphore, #tpu.memory_space<semaphore_mem>>) src(%dma_wait3A_36 : memref<40x128xi32, #tpu.memory_space<hbm>>) dst(%arg9 : memref<40x128xi32, #tpu.memory_space<vmem>>)
      tpu.yield
    }) : () -> ()
    %barrier3A = arith.constant 0 : index
    tpu.barrier barrier_id(%barrier3A)
    %dma_start3A = arith.constant 0 : i32
    %dma_start3A_3 = arith.constant 0 : i32
    %dma_start3A_4 = tpu.memref_slice %arg8[%dma_start3A, %dma_start3A_3] : memref<40x128xi32, #tpu.memory_space<vmem>> -> memref<1x128xi32, #tpu.memory_space<vmem>>
    %dma_start3A_5 = tpu.memref_squeeze %dma_start3A_4 : memref<1x128xi32, #tpu.memory_space<vmem>> -> memref<128xi32, #tpu.memory_space<vmem>>
    %dma_start3A_6 = arith.constant 0 : i32
    %dma_start3A_7 = arith.constant 0 : i32
    %dma_start3A_8 = tpu.memref_slice %arg2[%dma_start3A_6, %dma_start3A_7] : memref<10000x128xf32, #tpu.memory_space<hbm>> -> memref<10000x128xf32, #tpu.memory_space<hbm>>
    tpu.enqueue_indirect_dma source(%dma_start3A_8 : memref<10000x128xf32, #tpu.memory_space<hbm>>) target(%arg10 : memref<128x128xf32, #tpu.memory_space<vmem>>) offsets(%dma_start3A_5 : memref<128xi32, #tpu.memory_space<vmem>>) semaphore(%arg13 : memref<!tpu.dma_semaphore, #tpu.memory_space<semaphore_mem>>)
    %scan3A = arith.constant 0 : i32
    %scan3A_9 = arith.constant 0 : i32
    %scan3A_10 = arith.constant 20 : i32
    %scan3A_11 = arith.addi %scan3A_9, %scan3A_10 : i32
    %scan3A_12 = arith.constant 1 : i32
    scf.for %scan3A_22 = %scan3A_9 to %scan3A_11 step %scan3A_12  : i32 {
      %mul3A_23 = arith.constant 2 : i32
      %mul3A_24 = arith.muli %mul3A_23, %scan3A_22 : i32
      %add3A_25 = arith.constant 1 : i32
      %add3A_26 = arith.addi %mul3A_24, %add3A_25 : i32
      %dma_start3A_27 = arith.constant 0 : i32
      %dma_start3A_28 = tpu.memref_slice %arg8[%add3A_26, %dma_start3A_27] : memref<40x128xi32, #tpu.memory_space<vmem>> -> memref<1x128xi32, #tpu.memory_space<vmem>>
      %dma_start3A_29 = tpu.memref_squeeze %dma_start3A_28 : memref<1x128xi32, #tpu.memory_space<vmem>> -> memref<128xi32, #tpu.memory_space<vmem>>
      %dma_start3A_30 = arith.constant 0 : i32
      %dma_start3A_31 = arith.constant 0 : i32
      %dma_start3A_32 = tpu.memref_slice %arg2[%dma_start3A_30, %dma_start3A_31] : memref<10000x128xf32, #tpu.memory_space<hbm>> -> memref<10000x128xf32, #tpu.memory_space<hbm>>
      tpu.enqueue_indirect_dma source(%dma_start3A_32 : memref<10000x128xf32, #tpu.memory_space<hbm>>) target(%arg11 : memref<128x128xf32, #tpu.memory_space<vmem>>) offsets(%dma_start3A_29 : memref<128xi32, #tpu.memory_space<vmem>>) semaphore(%arg14 : memref<!tpu.dma_semaphore, #tpu.memory_space<semaphore_mem>>)
      %dma_wait3A = arith.constant 0 : i32
      %dma_wait3A_33 = tpu.memref_slice %arg8[%mul3A_24, %dma_wait3A] : memref<40x128xi32, #tpu.memory_space<vmem>> -> memref<1x128xi32, #tpu.memory_space<vmem>>
      %dma_wait3A_34 = tpu.memref_squeeze %dma_wait3A_33 : memref<1x128xi32, #tpu.memory_space<vmem>> -> memref<128xi32, #tpu.memory_space<vmem>>
      %dma_wait3A_35 = arith.constant 0 : i32
      %dma_wait3A_36 = arith.constant 0 : i32
      %dma_wait3A_37 = tpu.memref_slice %arg2[%dma_wait3A_35, %dma_wait3A_36] : memref<10000x128xf32, #tpu.memory_space<hbm>> -> memref<10000x128xf32, #tpu.memory_space<hbm>>
      tpu.wait_indirect_dma semaphore(%arg13 : memref<!tpu.dma_semaphore, #tpu.memory_space<semaphore_mem>>) src(%dma_wait3A_37 : memref<10000x128xf32, #tpu.memory_space<hbm>>) dst(%arg10 : memref<128x128xf32, #tpu.memory_space<vmem>>)
      "tpu.region"() ({
        %run_scoped3A = tpu.sem_alloc : memref<!tpu.dma_semaphore, #tpu.memory_space<semaphore_mem>>
        %dma_start3A_52 = arith.constant 0 : i32
        %dma_start3A_53 = tpu.memref_slice %arg9[%mul3A_24, %dma_start3A_52] : memref<40x128xi32, #tpu.memory_space<vmem>> -> memref<1x128xi32, #tpu.memory_space<vmem>>
        %dma_start3A_54 = tpu.memref_squeeze %dma_start3A_53 : memref<1x128xi32, #tpu.memory_space<vmem>> -> memref<128xi32, #tpu.memory_space<vmem>>
        %dma_start3A_55 = arith.constant 0 : i32
        %dma_start3A_56 = arith.constant 0 : i32
        %dma_start3A_57 = tpu.memref_slice %arg12[%dma_start3A_55, %dma_start3A_56] : memref<10240x128xf32, #tpu.memory_space<vmem_shared>> -> memref<10240x128xf32, #tpu.memory_space<vmem_shared>>
        tpu.enqueue_indirect_dma source(%arg10 : memref<128x128xf32, #tpu.memory_space<vmem>>) target(%dma_start3A_57 : memref<10240x128xf32, #tpu.memory_space<vmem_shared>>) offsets(%dma_start3A_54 : memref<128xi32, #tpu.memory_space<vmem>>) semaphore(%run_scoped3A : memref<!tpu.dma_semaphore, #tpu.memory_space<semaphore_mem>>) {add = true}
        %dma_wait3A_58 = arith.constant 0 : i32
        %dma_wait3A_59 = tpu.memref_slice %arg9[%mul3A_24, %dma_wait3A_58] : memref<40x128xi32, #tpu.memory_space<vmem>> -> memref<1x128xi32, #tpu.memory_space<vmem>>
        %dma_wait3A_60 = tpu.memref_squeeze %dma_wait3A_59 : memref<1x128xi32, #tpu.memory_space<vmem>> -> memref<128xi32, #tpu.memory_space<vmem>>
        %dma_wait3A_61 = arith.constant 0 : i32
        %dma_wait3A_62 = arith.constant 0 : i32
        %dma_wait3A_63 = tpu.memref_slice %arg12[%dma_wait3A_61, %dma_wait3A_62] : memref<10240x128xf32, #tpu.memory_space<vmem_shared>> -> memref<10240x128xf32, #tpu.memory_space<vmem_shared>>
        tpu.wait_indirect_dma semaphore(%run_scoped3A : memref<!tpu.dma_semaphore, #tpu.memory_space<semaphore_mem>>) src(%arg10 : memref<128x128xf32, #tpu.memory_space<vmem>>) dst(%dma_wait3A_63 : memref<10240x128xf32, #tpu.memory_space<vmem_shared>>)
        tpu.yield
      }) : () -> ()
      %lt3A = arith.constant 19 : i32
      %lt3A_38 = arith.cmpi slt, %scan3A_22, %lt3A : i32
      %convert_element_type3A_39 = arith.extui %lt3A_38 : i1 to i32
      %cond3A_40 = arith.constant 0 : i32
      %cond3A_41 = arith.cmpi ne, %convert_element_type3A_39, %cond3A_40 : i32
      scf.if %cond3A_41 {
        %add3A_52 = arith.constant 2 : i32
        %add3A_53 = arith.addi %mul3A_24, %add3A_52 : i32
        %dma_start3A_54 = arith.constant 0 : i32
        %dma_start3A_55 = tpu.memref_slice %arg8[%add3A_53, %dma_start3A_54] : memref<40x128xi32, #tpu.memory_space<vmem>> -> memref<1x128xi32, #tpu.memory_space<vmem>>
        %dma_start3A_56 = tpu.memref_squeeze %dma_start3A_55 : memref<1x128xi32, #tpu.memory_space<vmem>> -> memref<128xi32, #tpu.memory_space<vmem>>
        %dma_start3A_57 = arith.constant 0 : i32
        %dma_start3A_58 = arith.constant 0 : i32
        %dma_start3A_59 = tpu.memref_slice %arg2[%dma_start3A_57, %dma_start3A_58] : memref<10000x128xf32, #tpu.memory_space<hbm>> -> memref<10000x128xf32, #tpu.memory_space<hbm>>
        tpu.enqueue_indirect_dma source(%dma_start3A_59 : memref<10000x128xf32, #tpu.memory_space<hbm>>) target(%arg10 : memref<128x128xf32, #tpu.memory_space<vmem>>) offsets(%dma_start3A_56 : memref<128xi32, #tpu.memory_space<vmem>>) semaphore(%arg13 : memref<!tpu.dma_semaphore, #tpu.memory_space<semaphore_mem>>)
      } else {
      }
      %add3A_42 = arith.constant 1 : i32
      %add3A_43 = arith.addi %mul3A_24, %add3A_42 : i32
      %dma_wait3A_44 = arith.constant 0 : i32
      %dma_wait3A_45 = tpu.memref_slice %arg8[%add3A_43, %dma_wait3A_44] : memref<40x128xi32, #tpu.memory_space<vmem>> -> memref<1x128xi32, #tpu.memory_space<vmem>>
      %dma_wait3A_46 = tpu.memref_squeeze %dma_wait3A_45 : memref<1x128xi32, #tpu.memory_space<vmem>> -> memref<128xi32, #tpu.memory_space<vmem>>
      %dma_wait3A_47 = arith.constant 0 : i32
      %dma_wait3A_48 = arith.constant 0 : i32
      %dma_wait3A_49 = tpu.memref_slice %arg2[%dma_wait3A_47, %dma_wait3A_48] : memref<10000x128xf32, #tpu.memory_space<hbm>> -> memref<10000x128xf32, #tpu.memory_space<hbm>>
      tpu.wait_indirect_dma semaphore(%arg14 : memref<!tpu.dma_semaphore, #tpu.memory_space<semaphore_mem>>) src(%dma_wait3A_49 : memref<10000x128xf32, #tpu.memory_space<hbm>>) dst(%arg11 : memref<128x128xf32, #tpu.memory_space<vmem>>)
      %add3A_50 = arith.constant 1 : i32
      %add3A_51 = arith.addi %mul3A_24, %add3A_50 : i32
      "tpu.region"() ({
        %run_scoped3A = tpu.sem_alloc : memref<!tpu.dma_semaphore, #tpu.memory_space<semaphore_mem>>
        %dma_start3A_52 = arith.constant 0 : i32
        %dma_start3A_53 = tpu.memref_slice %arg9[%add3A_51, %dma_start3A_52] : memref<40x128xi32, #tpu.memory_space<vmem>> -> memref<1x128xi32, #tpu.memory_space<vmem>>
        %dma_start3A_54 = tpu.memref_squeeze %dma_start3A_53 : memref<1x128xi32, #tpu.memory_space<vmem>> -> memref<128xi32, #tpu.memory_space<vmem>>
        %dma_start3A_55 = arith.constant 0 : i32
        %dma_start3A_56 = arith.constant 0 : i32
        %dma_start3A_57 = tpu.memref_slice %arg12[%dma_start3A_55, %dma_start3A_56] : memref<10240x128xf32, #tpu.memory_space<vmem_shared>> -> memref<10240x128xf32, #tpu.memory_space<vmem_shared>>
        tpu.enqueue_indirect_dma source(%arg11 : memref<128x128xf32, #tpu.memory_space<vmem>>) target(%dma_start3A_57 : memref<10240x128xf32, #tpu.memory_space<vmem_shared>>) offsets(%dma_start3A_54 : memref<128xi32, #tpu.memory_space<vmem>>) semaphore(%run_scoped3A : memref<!tpu.dma_semaphore, #tpu.memory_space<semaphore_mem>>) {add = true}
        %dma_wait3A_58 = arith.constant 0 : i32
        %dma_wait3A_59 = tpu.memref_slice %arg9[%add3A_51, %dma_wait3A_58] : memref<40x128xi32, #tpu.memory_space<vmem>> -> memref<1x128xi32, #tpu.memory_space<vmem>>
        %dma_wait3A_60 = tpu.memref_squeeze %dma_wait3A_59 : memref<1x128xi32, #tpu.memory_space<vmem>> -> memref<128xi32, #tpu.memory_space<vmem>>
        %dma_wait3A_61 = arith.constant 0 : i32
        %dma_wait3A_62 = arith.constant 0 : i32
        %dma_wait3A_63 = tpu.memref_slice %arg12[%dma_wait3A_61, %dma_wait3A_62] : memref<10240x128xf32, #tpu.memory_space<vmem_shared>> -> memref<10240x128xf32, #tpu.memory_space<vmem_shared>>
        tpu.wait_indirect_dma semaphore(%run_scoped3A : memref<!tpu.dma_semaphore, #tpu.memory_space<semaphore_mem>>) src(%arg11 : memref<128x128xf32, #tpu.memory_space<vmem>>) dst(%dma_wait3A_63 : memref<10240x128xf32, #tpu.memory_space<vmem_shared>>)
        tpu.yield
      }) : () -> ()
    }
    %scan3A_13 = arith.constant 20 : i32
    %barrier3A_14 = arith.constant 0 : index
    tpu.barrier barrier_id(%barrier3A_14)
    %eq3A = arith.constant 0 : i32
    %eq3A_15 = arith.cmpi eq, %arg0, %eq3A : i32
    %convert_element_type3A = arith.extui %eq3A_15 : i1 to i32
    %cond3A = arith.constant 0 : i32
    %cond3A_16 = arith.cmpi ne, %convert_element_type3A, %cond3A : i32
    scf.if %cond3A_16 {
      %mul3A_22 = arith.constant 640 : i32
      %mul3A_23 = arith.muli %arg1, %mul3A_22 : i32
      %mul3A_24 = arith.constant 640 : i32
      %mul3A_25 = arith.muli %arg1, %mul3A_24 : i32
      "tpu.region"() ({
        %run_scoped3A = tpu.sem_alloc : memref<!tpu.dma_semaphore, #tpu.memory_space<semaphore_mem>>
        %dma_start3A_26 = arith.constant 0 : i32
        %dma_start3A_27 = tpu.memref_slice %arg6[%mul3A_25, %dma_start3A_26] : memref<10240x128xf32, #tpu.memory_space<hbm>> -> memref<640x128xf32, #tpu.memory_space<hbm>>
        %dma_start3A_28 = arith.constant 0 : i32
        %dma_start3A_29 = tpu.memref_slice %arg12[%mul3A_23, %dma_start3A_28] : memref<10240x128xf32, #tpu.memory_space<vmem_shared>> -> memref<640x128xf32, #tpu.memory_space<vmem_shared>>
        tpu.enqueue_dma source(%dma_start3A_29 : memref<640x128xf32, #tpu.memory_space<vmem_shared>>) target(%dma_start3A_27 : memref<640x128xf32, #tpu.memory_space<hbm>>) target_semaphore(%run_scoped3A : memref<!tpu.dma_semaphore, #tpu.memory_space<semaphore_mem>>)
        %dma_wait3A = arith.constant 0 : i32
        %dma_wait3A_30 = tpu.memref_slice %arg6[%mul3A_25, %dma_wait3A] : memref<10240x128xf32, #tpu.memory_space<hbm>> -> memref<640x128xf32, #tpu.memory_space<hbm>>
        %dma_wait3A_31 = arith.constant 0 : i32
        %dma_wait3A_32 = tpu.memref_slice %arg12[%mul3A_23, %dma_wait3A_31] : memref<10240x128xf32, #tpu.memory_space<vmem_shared>> -> memref<640x128xf32, #tpu.memory_space<vmem_shared>>
        tpu.wait_dma2 semaphore(%run_scoped3A : memref<!tpu.dma_semaphore, #tpu.memory_space<semaphore_mem>>) src(%dma_wait3A_32 : memref<640x128xf32, #tpu.memory_space<vmem_shared>>) dst(%dma_wait3A_30 : memref<640x128xf32, #tpu.memory_space<hbm>>)
        tpu.yield
      }) : () -> ()
    } else {
    }
    %eq3A_17 = arith.constant 1 : i32
    %eq3A_18 = arith.cmpi eq, %arg0, %eq3A_17 : i32
    %convert_element_type3A_19 = arith.extui %eq3A_18 : i1 to i32
    %cond3A_20 = arith.constant 0 : i32
    %cond3A_21 = arith.cmpi ne, %convert_element_type3A_19, %cond3A_20 : i32
    scf.if %cond3A_21 {
      %mul3A_22 = arith.constant 640 : i32
      %mul3A_23 = arith.muli %arg1, %mul3A_22 : i32
      %mul3A_24 = arith.constant 640 : i32
      %mul3A_25 = arith.muli %arg1, %mul3A_24 : i32
      "tpu.region"() ({
        %run_scoped3A = tpu.sem_alloc : memref<!tpu.dma_semaphore, #tpu.memory_space<semaphore_mem>>
        %dma_start3A_26 = arith.constant 0 : i32
        %dma_start3A_27 = tpu.memref_slice %arg7[%mul3A_25, %dma_start3A_26] : memref<10240x128xf32, #tpu.memory_space<hbm>> -> memref<640x128xf32, #tpu.memory_space<hbm>>
        %dma_start3A_28 = arith.constant 0 : i32
        %dma_start3A_29 = tpu.memref_slice %arg12[%mul3A_23, %dma_start3A_28] : memref<10240x128xf32, #tpu.memory_space<vmem_shared>> -> memref<640x128xf32, #tpu.memory_space<vmem_shared>>
        tpu.enqueue_dma source(%dma_start3A_29 : memref<640x128xf32, #tpu.memory_space<vmem_shared>>) target(%dma_start3A_27 : memref<640x128xf32, #tpu.memory_space<hbm>>) target_semaphore(%run_scoped3A : memref<!tpu.dma_semaphore, #tpu.memory_space<semaphore_mem>>)
        %dma_wait3A = arith.constant 0 : i32
        %dma_wait3A_30 = tpu.memref_slice %arg7[%mul3A_25, %dma_wait3A] : memref<10240x128xf32, #tpu.memory_space<hbm>> -> memref<640x128xf32, #tpu.memory_space<hbm>>
        %dma_wait3A_31 = arith.constant 0 : i32
        %dma_wait3A_32 = tpu.memref_slice %arg12[%mul3A_23, %dma_wait3A_31] : memref<10240x128xf32, #tpu.memory_space<vmem_shared>> -> memref<640x128xf32, #tpu.memory_space<vmem_shared>>
        tpu.wait_dma2 semaphore(%run_scoped3A : memref<!tpu.dma_semaphore, #tpu.memory_space<semaphore_mem>>) src(%dma_wait3A_32 : memref<640x128xf32, #tpu.memory_space<vmem_shared>>) dst(%dma_wait3A_30 : memref<640x128xf32, #tpu.memory_space<hbm>>)
        tpu.yield
      }) : () -> ()
    } else {
    }
    return
  }
}

module attributes {stable_mosaic.version = 14 : i64} {
  func.func @_pre_body(%arg0: i32, %arg1: memref<2000x256xf32, #tpu.memory_space<vmem>>, %arg2: memref<256x128xf32, #tpu.memory_space<vmem>>, %arg3: memref<256x128xf32, #tpu.memory_space<vmem>>, %arg4: memref<2000x128xf32, #tpu.memory_space<vmem>>, %arg5: memref<2000x128xf32, #tpu.memory_space<vmem>>) attributes {dimension_semantics = [#tpu.dimension_semantics<arbitrary>], iteration_bounds = array<i64: 5>, scalar_prefetch = 0 : i64, scratch_operands = 0 : i64, tpu.core_type = #tpu.core_type<tc>, window_params = [{transform_indices = @transform_0, window_bounds = array<i64: 2000, 256>}, {pipeline_mode = #tpu.pipeline_mode<synchronous>, transform_indices = @transform_1, window_bounds = array<i64: 256, 128>}, {pipeline_mode = #tpu.pipeline_mode<synchronous>, transform_indices = @transform_2, window_bounds = array<i64: 256, 128>}, {transform_indices = @transform_3, window_bounds = array<i64: 2000, 128>}, {transform_indices = @transform_4, window_bounds = array<i64: 2000, 128>}]} {
    %get3A = arith.constant 0 : index
    %get3A_0 = arith.constant 0 : index
    %get3A_1 = vector.load %arg1[%get3A, %get3A_0] : memref<2000x256xf32, #tpu.memory_space<vmem>>, vector<2000x256xf32>
    %get3A_2 = arith.constant 0 : index
    %get3A_3 = arith.constant 0 : index
    %get3A_4 = vector.load %arg2[%get3A_2, %get3A_3] : memref<256x128xf32, #tpu.memory_space<vmem>>, vector<256x128xf32>
    %dot_general3A = arith.constant dense<0.000000e+00> : vector<2000x128xf32>
    %dot_general3A_5 = tpu.matmul %get3A_1, %get3A_4, %dot_general3A {dimension_numbers = #tpu.dot_dimension_numbers<[1], [0], [0], [1], [0, 0, 1, 1], [], []>, transpose_lhs_hint = false} : vector<2000x256xf32>, vector<256x128xf32>, vector<2000x128xf32> -> vector<2000x128xf32>
    %swap3A = arith.constant 0 : index
    %swap3A_6 = arith.constant 0 : index
    %swap3A_7 = vector.load %arg4[%swap3A, %swap3A_6] : memref<2000x128xf32, #tpu.memory_space<vmem>>, vector<2000x128xf32>
    tpu.vector_store %arg4[%swap3A, %swap3A_6], %dot_general3A_5 {strides = array<i32>} : memref<2000x128xf32, #tpu.memory_space<vmem>>, vector<2000x128xf32>,
    %get3A_8 = arith.constant 0 : index
    %get3A_9 = arith.constant 0 : index
    %get3A_10 = vector.load %arg1[%get3A_8, %get3A_9] : memref<2000x256xf32, #tpu.memory_space<vmem>>, vector<2000x256xf32>
    %get3A_11 = arith.constant 0 : index
    %get3A_12 = arith.constant 0 : index
    %get3A_13 = vector.load %arg3[%get3A_11, %get3A_12] : memref<256x128xf32, #tpu.memory_space<vmem>>, vector<256x128xf32>
    %dot_general3A_14 = arith.constant dense<0.000000e+00> : vector<2000x128xf32>
    %dot_general3A_15 = tpu.matmul %get3A_10, %get3A_13, %dot_general3A_14 {dimension_numbers = #tpu.dot_dimension_numbers<[1], [0], [0], [1], [0, 0, 1, 1], [], []>, transpose_lhs_hint = false} : vector<2000x256xf32>, vector<256x128xf32>, vector<2000x128xf32> -> vector<2000x128xf32>
    %swap3A_16 = arith.constant 0 : index
    %swap3A_17 = arith.constant 0 : index
    %swap3A_18 = vector.load %arg5[%swap3A_16, %swap3A_17] : memref<2000x128xf32, #tpu.memory_space<vmem>>, vector<2000x128xf32>
    tpu.vector_store %arg5[%swap3A_16, %swap3A_17], %dot_general3A_15 {strides = array<i32>} : memref<2000x128xf32, #tpu.memory_space<vmem>>, vector<2000x128xf32>,
    return
  }
  func.func @transform_0(%arg0: i32) -> (i32, i32) {
    %c0_i32 = arith.constant 0 : i32
    %c0_i32_0 = arith.constant 0 : i32
    return %arg0, %c0_i32 : i32, i32
  }
  func.func @transform_1(%arg0: i32) -> (i32, i32) {
    %c0_i32 = arith.constant 0 : i32
    %c0_i32_0 = arith.constant 0 : i32
    %c0_i32_1 = arith.constant 0 : i32
    return %c0_i32, %c0_i32_0 : i32, i32
  }
  func.func @transform_2(%arg0: i32) -> (i32, i32) {
    %c0_i32 = arith.constant 0 : i32
    %c0_i32_0 = arith.constant 0 : i32
    %c0_i32_1 = arith.constant 0 : i32
    return %c0_i32, %c0_i32_0 : i32, i32
  }
  func.func @transform_3(%arg0: i32) -> (i32, i32) {
    %c0_i32 = arith.constant 0 : i32
    %c0_i32_0 = arith.constant 0 : i32
    return %arg0, %c0_i32 : i32, i32
  }
  func.func @transform_4(%arg0: i32) -> (i32, i32) {
    %c0_i32 = arith.constant 0 : i32
    %c0_i32_0 = arith.constant 0 : i32
    return %arg0, %c0_i32 : i32, i32
  }
}

module attributes {stable_mosaic.version = 14 : i64} {
  func.func @_mid_body(%arg0: i32, %arg1: memref<2000x128xf32, #tpu.memory_space<vmem>>, %arg2: memref<2000x128xf32, #tpu.memory_space<vmem>>, %arg3: memref<2000x8xf32, #tpu.memory_space<vmem>>, %arg4: memref<2000x8xf32, #tpu.memory_space<vmem>>, %arg5: memref<2000x128xf32, #tpu.memory_space<vmem>>, %arg6: memref<1x128xf32, #tpu.memory_space<vmem>>, %arg7: memref<2000x128xf32, #tpu.memory_space<vmem>>, %arg8: memref<2000x128xf32, #tpu.memory_space<vmem>>) attributes {dimension_semantics = [#tpu.dimension_semantics<arbitrary>], iteration_bounds = array<i64: 5>, scalar_prefetch = 0 : i64, scratch_operands = 0 : i64, tpu.core_type = #tpu.core_type<tc>, window_params = [{transform_indices = @transform_0, window_bounds = array<i64: 2000, 128>}, {transform_indices = @transform_1, window_bounds = array<i64: 2000, 128>}, {transform_indices = @transform_2, window_bounds = array<i64: 2000, 8>}, {transform_indices = @transform_3, window_bounds = array<i64: 2000, 8>}, {transform_indices = @transform_4, window_bounds = array<i64: 2000, 128>}, {pipeline_mode = #tpu.pipeline_mode<synchronous>, transform_indices = @transform_5, window_bounds = array<i64: 1, 128>}, {transform_indices = @transform_6, window_bounds = array<i64: 2000, 128>}, {transform_indices = @transform_7, window_bounds = array<i64: 2000, 128>}]} {
    %get3A = arith.constant 0 : index
    %get3A_0 = arith.constant 0 : index
    %get3A_1 = vector.load %arg3[%get3A, %get3A_0] : memref<2000x8xf32, #tpu.memory_space<vmem>>, vector<2000x1xf32>
    %get3A_2 = arith.constant 0 : index
    %get3A_3 = arith.constant 0 : index
    %get3A_4 = vector.load %arg4[%get3A_2, %get3A_3] : memref<2000x8xf32, #tpu.memory_space<vmem>>, vector<2000x1xf32>
    %add3A = arith.addf %get3A_1, %get3A_4 : vector<2000x1xf32>
    %max3A = arith.constant 1.000000e+00 : f32
    %max3A_5 = vector.broadcast %max3A : f32 to vector<2000x1xf32>
    %max3A_6 = arith.maximumf %add3A, %max3A_5 : vector<2000x1xf32>
    %div3A = arith.constant 1.000000e+00 : f32
    %div3A_7 = vector.broadcast %div3A : f32 to vector<2000x1xf32>
    %div3A_8 = arith.divf %div3A_7, %max3A_6 : vector<2000x1xf32>
    %get3A_9 = arith.constant 0 : index
    %get3A_10 = arith.constant 0 : index
    %get3A_11 = vector.load %arg1[%get3A_9, %get3A_10] : memref<2000x128xf32, #tpu.memory_space<vmem>>, vector<2000x128xf32>
    %get3A_12 = arith.constant 0 : index
    %get3A_13 = arith.constant 0 : index
    %get3A_14 = vector.load %arg2[%get3A_12, %get3A_13] : memref<2000x128xf32, #tpu.memory_space<vmem>>, vector<2000x128xf32>
    %add3A_15 = arith.addf %get3A_11, %get3A_14 : vector<2000x128xf32>
    %mul3A = vector.broadcast %div3A_8 : vector<2000x1xf32> to vector<2000x128xf32>
    %mul3A_16 = arith.mulf %add3A_15, %mul3A : vector<2000x128xf32>
    %get3A_17 = arith.constant 0 : index
    %get3A_18 = arith.constant 0 : index
    %get3A_19 = vector.load %arg6[%get3A_17, %get3A_18] : memref<1x128xf32, #tpu.memory_space<vmem>>, vector<1x128xf32>
    %add3A_20 = vector.broadcast %get3A_19 : vector<1x128xf32> to vector<2000x128xf32>
    %add3A_21 = arith.addf %mul3A_16, %add3A_20 : vector<2000x128xf32>
    %get3A_22 = arith.constant 0 : index
    %get3A_23 = arith.constant 0 : index
    %get3A_24 = vector.load %arg5[%get3A_22, %get3A_23] : memref<2000x128xf32, #tpu.memory_space<vmem>>, vector<2000x128xf32>
    %add3A_25 = arith.addf %add3A_21, %get3A_24 : vector<2000x128xf32>
    %max3A_26 = arith.constant 0.000000e+00 : f32
    %max3A_27 = vector.broadcast %max3A_26 : f32 to vector<2000x128xf32>
    %max3A_28 = arith.maximumf %add3A_25, %max3A_27 : vector<2000x128xf32>
    %swap3A = arith.constant 0 : index
    %swap3A_29 = arith.constant 0 : index
    %swap3A_30 = vector.load %arg7[%swap3A, %swap3A_29] : memref<2000x128xf32, #tpu.memory_space<vmem>>, vector<2000x128xf32>
    tpu.vector_store %arg7[%swap3A, %swap3A_29], %max3A_28 {strides = array<i32>} : memref<2000x128xf32, #tpu.memory_space<vmem>>, vector<2000x128xf32>,
    %broadcast_in_dim3A = vector.shape_cast %div3A_8 : vector<2000x1xf32> to vector<2000x1xf32>
    %broadcast_in_dim3A_31 = vector.broadcast %broadcast_in_dim3A : vector<2000x1xf32> to vector<2000x128xf32>
    %swap3A_32 = arith.constant 0 : index
    %swap3A_33 = arith.constant 0 : index
    %swap3A_34 = vector.load %arg8[%swap3A_32, %swap3A_33] : memref<2000x128xf32, #tpu.memory_space<vmem>>, vector<2000x128xf32>
    tpu.vector_store %arg8[%swap3A_32, %swap3A_33], %broadcast_in_dim3A_31 {strides = array<i32>} : memref<2000x128xf32, #tpu.memory_space<vmem>>, vector<2000x128xf32>,
    return
  }
  func.func @transform_0(%arg0: i32) -> (i32, i32) {
    %c0_i32 = arith.constant 0 : i32
    %c0_i32_0 = arith.constant 0 : i32
    return %arg0, %c0_i32 : i32, i32
  }
  func.func @transform_1(%arg0: i32) -> (i32, i32) {
    %c0_i32 = arith.constant 0 : i32
    %c0_i32_0 = arith.constant 0 : i32
    return %arg0, %c0_i32 : i32, i32
  }
  func.func @transform_2(%arg0: i32) -> (i32, i32) {
    %c0_i32 = arith.constant 0 : i32
    %c0_i32_0 = arith.constant 0 : i32
    return %arg0, %c0_i32 : i32, i32
  }
  func.func @transform_3(%arg0: i32) -> (i32, i32) {
    %c0_i32 = arith.constant 0 : i32
    %c0_i32_0 = arith.constant 0 : i32
    return %arg0, %c0_i32 : i32, i32
  }
  func.func @transform_4(%arg0: i32) -> (i32, i32) {
    %c0_i32 = arith.constant 0 : i32
    %c0_i32_0 = arith.constant 0 : i32
    return %arg0, %c0_i32 : i32, i32
  }
  func.func @transform_5(%arg0: i32) -> (i32, i32) {
    %c0_i32 = arith.constant 0 : i32
    %c0_i32_0 = arith.constant 0 : i32
    %c0_i32_1 = arith.constant 0 : i32
    return %c0_i32, %c0_i32_0 : i32, i32
  }
  func.func @transform_6(%arg0: i32) -> (i32, i32) {
    %c0_i32 = arith.constant 0 : i32
    %c0_i32_0 = arith.constant 0 : i32
    return %arg0, %c0_i32 : i32, i32
  }
  func.func @transform_7(%arg0: i32) -> (i32, i32) {
    %c0_i32 = arith.constant 0 : i32
    %c0_i32_0 = arith.constant 0 : i32
    return %arg0, %c0_i32 : i32, i32
  }
}

module attributes {stable_mosaic.version = 14 : i64} {
  func.func @_post_body(%arg0: i32, %arg1: memref<2000x128xf32, #tpu.memory_space<vmem>>, %arg2: memref<2000x128xf32, #tpu.memory_space<vmem>>, %arg3: memref<2000x128xf32, #tpu.memory_space<vmem>>, %arg4: memref<2000x128xf32, #tpu.memory_space<vmem>>, %arg5: memref<128x256xf32, #tpu.memory_space<vmem>>, %arg6: memref<1x256xf32, #tpu.memory_space<vmem>>, %arg7: memref<128x256xf32, #tpu.memory_space<vmem>>, %arg8: memref<2000x256xf32, #tpu.memory_space<vmem>>) attributes {dimension_semantics = [#tpu.dimension_semantics<arbitrary>], iteration_bounds = array<i64: 5>, scalar_prefetch = 0 : i64, scratch_operands = 0 : i64, tpu.core_type = #tpu.core_type<tc>, window_params = [{transform_indices = @transform_0, window_bounds = array<i64: 2000, 128>}, {transform_indices = @transform_1, window_bounds = array<i64: 2000, 128>}, {transform_indices = @transform_2, window_bounds = array<i64: 2000, 128>}, {transform_indices = @transform_3, window_bounds = array<i64: 2000, 128>}, {pipeline_mode = #tpu.pipeline_mode<synchronous>, transform_indices = @transform_4, window_bounds = array<i64: 128, 256>}, {pipeline_mode = #tpu.pipeline_mode<synchronous>, transform_indices = @transform_5, window_bounds = array<i64: 1, 256>}, {pipeline_mode = #tpu.pipeline_mode<synchronous>, transform_indices = @transform_6, window_bounds = array<i64: 128, 256>}, {transform_indices = @transform_7, window_bounds = array<i64: 2000, 256>}]} {
    %get3A = arith.constant 0 : index
    %get3A_0 = arith.constant 0 : index
    %get3A_1 = vector.load %arg1[%get3A, %get3A_0] : memref<2000x128xf32, #tpu.memory_space<vmem>>, vector<2000x128xf32>
    %get3A_2 = arith.constant 0 : index
    %get3A_3 = arith.constant 0 : index
    %get3A_4 = vector.load %arg2[%get3A_2, %get3A_3] : memref<2000x128xf32, #tpu.memory_space<vmem>>, vector<2000x128xf32>
    %add3A = arith.addf %get3A_1, %get3A_4 : vector<2000x128xf32>
    %get3A_5 = arith.constant 0 : index
    %get3A_6 = arith.constant 0 : index
    %get3A_7 = vector.load %arg3[%get3A_5, %get3A_6] : memref<2000x128xf32, #tpu.memory_space<vmem>>, vector<2000x128xf32>
    %mul3A = arith.mulf %add3A, %get3A_7 : vector<2000x128xf32>
    %get3A_8 = arith.constant 0 : index
    %get3A_9 = arith.constant 0 : index
    %get3A_10 = vector.load %arg5[%get3A_8, %get3A_9] : memref<128x256xf32, #tpu.memory_space<vmem>>, vector<128x256xf32>
    %dot_general3A = arith.constant dense<0.000000e+00> : vector<2000x256xf32>
    %dot_general3A_11 = tpu.matmul %mul3A, %get3A_10, %dot_general3A {dimension_numbers = #tpu.dot_dimension_numbers<[1], [0], [0], [1], [0, 0, 1, 1], [], []>, transpose_lhs_hint = false} : vector<2000x128xf32>, vector<128x256xf32>, vector<2000x256xf32> -> vector<2000x256xf32>
    %get3A_12 = arith.constant 0 : index
    %get3A_13 = arith.constant 0 : index
    %get3A_14 = vector.load %arg6[%get3A_12, %get3A_13] : memref<1x256xf32, #tpu.memory_space<vmem>>, vector<1x256xf32>
    %add3A_15 = vector.broadcast %get3A_14 : vector<1x256xf32> to vector<2000x256xf32>
    %add3A_16 = arith.addf %dot_general3A_11, %add3A_15 : vector<2000x256xf32>
    %get3A_17 = arith.constant 0 : index
    %get3A_18 = arith.constant 0 : index
    %get3A_19 = vector.load %arg4[%get3A_17, %get3A_18] : memref<2000x128xf32, #tpu.memory_space<vmem>>, vector<2000x128xf32>
    %get3A_20 = arith.constant 0 : index
    %get3A_21 = arith.constant 0 : index
    %get3A_22 = vector.load %arg7[%get3A_20, %get3A_21] : memref<128x256xf32, #tpu.memory_space<vmem>>, vector<128x256xf32>
    %dot_general3A_23 = arith.constant dense<0.000000e+00> : vector<2000x256xf32>
    %dot_general3A_24 = tpu.matmul %get3A_19, %get3A_22, %dot_general3A_23 {dimension_numbers = #tpu.dot_dimension_numbers<[1], [0], [0], [1], [0, 0, 1, 1], [], []>, transpose_lhs_hint = false} : vector<2000x128xf32>, vector<128x256xf32>, vector<2000x256xf32> -> vector<2000x256xf32>
    %add3A_25 = arith.addf %add3A_16, %dot_general3A_24 : vector<2000x256xf32>
    %swap3A = arith.constant 0 : index
    %swap3A_26 = arith.constant 0 : index
    %swap3A_27 = vector.load %arg8[%swap3A, %swap3A_26] : memref<2000x256xf32, #tpu.memory_space<vmem>>, vector<2000x256xf32>
    tpu.vector_store %arg8[%swap3A, %swap3A_26], %add3A_25 {strides = array<i32>} : memref<2000x256xf32, #tpu.memory_space<vmem>>, vector<2000x256xf32>,
    return
  }
  func.func @transform_0(%arg0: i32) -> (i32, i32) {
    %c0_i32 = arith.constant 0 : i32
    %c0_i32_0 = arith.constant 0 : i32
    return %arg0, %c0_i32 : i32, i32
  }
  func.func @transform_1(%arg0: i32) -> (i32, i32) {
    %c0_i32 = arith.constant 0 : i32
    %c0_i32_0 = arith.constant 0 : i32
    return %arg0, %c0_i32 : i32, i32
  }
  func.func @transform_2(%arg0: i32) -> (i32, i32) {
    %c0_i32 = arith.constant 0 : i32
    %c0_i32_0 = arith.constant 0 : i32
    return %arg0, %c0_i32 : i32, i32
  }
  func.func @transform_3(%arg0: i32) -> (i32, i32) {
    %c0_i32 = arith.constant 0 : i32
    %c0_i32_0 = arith.constant 0 : i32
    return %arg0, %c0_i32 : i32, i32
  }
  func.func @transform_4(%arg0: i32) -> (i32, i32) {
    %c0_i32 = arith.constant 0 : i32
    %c0_i32_0 = arith.constant 0 : i32
    %c0_i32_1 = arith.constant 0 : i32
    return %c0_i32, %c0_i32_0 : i32, i32
  }
  func.func @transform_5(%arg0: i32) -> (i32, i32) {
    %c0_i32 = arith.constant 0 : i32
    %c0_i32_0 = arith.constant 0 : i32
    %c0_i32_1 = arith.constant 0 : i32
    return %c0_i32, %c0_i32_0 : i32, i32
  }
  func.func @transform_6(%arg0: i32) -> (i32, i32) {
    %c0_i32 = arith.constant 0 : i32
    %c0_i32_0 = arith.constant 0 : i32
    %c0_i32_1 = arith.constant 0 : i32
    return %c0_i32, %c0_i32_0 : i32, i32
  }
  func.func @transform_7(%arg0: i32) -> (i32, i32) {
    %c0_i32 = arith.constant 0 : i32
    %c0_i32_0 = arith.constant 0 : i32
    return %arg0, %c0_i32 : i32, i32
  }
}

</mosaic_0001>

<sc_bundles>
// kernel: kernel.11.cloned.1.call-start
scs
__scs_entry_jumppad:
0x0: {  	(pc) =	sbr.rel $0x88, $3  }
0x1: {  	(tag) =	ssettag $0x0;
	lr =	simm.s32 $0x1  }
0x2: {  	[smem:$0x3F99] =	sst lr;
	_ =	strace $0xD0000000  }
0x3: {  	_ = 	snop  }
0x4: {  	_ = 	snop  }
0x5: {  	_ = 	snop  }
0x6: {  	_ = 	snop  }
0x7: {  	_ = 	snop  }
__scs_overlays_trampoline_lowered:
0x8: {  	[smem:$0x3FA8] =	sst s0  }
0x9: {  	[smem:$0x3FA9] =	sst s1  }
0xa: {  	[smem:$0x3FAA] =	sst s2  }
0xb: {  	[smem:$0x3FAB] =	sst s3  }
0xc: {  	[smem:$0x3FAC] =	sst s4  }
0xd: {  	[smem:$0x3FAD] =	sst s5  }
0xe: {  	[smem:$0x3FAE] =	sst s6  }
0xf: {  	[smem:$0x3FAF] =	sst s7  }
0x10: {  	[smem:$0x3FB0] =	sst s8  }
0x11: {  	[smem:$0x3FB1] =	sst s9;
	s0 =	simm.s32 @!p0 $0x0  }
0x12: {  	s1 =	sld [smem:$0x3F97];
	s0 =	simm.s32 @p0 $0x1  }
0x13: {  	[smem:$0x3FB2] =	sst s0;
	s0 =	simm.s32 @!p1 $0x0  }
0x14: {  	s2 =	sld [smem:$0x3F96];
	s0 =	simm.s32 @p1 $0x1  }
0x15: {  	[smem:$0x3FB3] =	sst s0;
	s0 =	simm.s32 @!p2 $0x0  }
0x16: {  	s3 =	sld [smem:$0x3FDB];
	s0 =	simm.s32 @p2 $0x1  }
0x17: {  	s4 =	simm.s32 $0x1BF5;
	[smem:$0x3FB5] =	sst s0  }
0x18: {  	s0 =	sld [smem:$0x3F98];
	_ =	swait.ge [sflag:s4], $0x0  }
0x19: {  	s7 =	sld [smem:$0x3F99]  }
0x1a: {  	s8 =	sadd.s32 $0xFFFFE003, lr  }
0x1b: {  	s9 =	sadd.s32 $0xFFFFFEF7, lr;
	s5 =	simm.s32 $0xFFFFFFFF;
	p2 =	slt.u32 s8, $0xFFFFF086  }
0x1c: {  	p1 =	slt.u32 s9, $0xF7A;
	s5 =	simm.s32 @!p2 $0x0  }
0x1d: {  	s5 =	simm.s32 @p1 $0x1;
	p0 =	seq.s32 s7, s2  }
0x1e: {  	s7 =	smul.u32 @!p0 $0xF7A, s2;
	p2 =	seq.s32 @!p0 s5, $0x0  }
0x1f: {  	s9 =	smul.u32 $0xF7A, s1;
	s8 =	simm.s32 @!p0 $0x1BF5;
	p2 =	por !p2, p0  }
0x20: {  	[sflag:s8] =	ssyncset.s32 @!p0 $0xFFFFF086;
	s6 =	sadd.s32 @!p0 s3, s7;
	s7 =	simm.s32 @!p0 $0x108  }
0x21: {  	s3 =	sadd.s32 s3, s9;
	s6 =	sadd.s32 @!p0 $0x88, s6;
	s7 =	simm.s32 @p2 $0x1082  }
0x22: {  	[simem:s7], [sflag:s8] =	dma.local @!p0 [hbm:s6], $0xF7A  }
0x23: {  	s9 =	sor.u32 $0xD0000000, s2;
	s6 =	simm.s32 $0x108;
	_ =	swait.ge @!p0 [sflag:s8], $0x0  }
0x24: {  	s3 =	sadd.s32 $0x88, s3;
	s6 =	simm.s32 @!p1 $0x1082;
	[sflag:s4] =	ssyncset.s32 $0xFFFFF086  }
0x25: {  	[simem:s6], [sflag:s4] =	dma.local [hbm:s3], $0xF7A  }
0x26: {  	[smem:$0x3F99] =	sst s1;
	(tag) =	ssettag s2;
	_ =	strace s9  }
0x27: {  	s1 =	sld [smem:$0x3FA9]  }
0x28: {  	s2 =	sld [smem:$0x3FAA]  }
0x29: {  	s4 =	sld [smem:$0x3FAC]  }
0x2a: {  	p0 =	seq.s32 s5, $0x0;
	s5 =	sld [smem:$0x3FAD]  }
0x2b: {  	s6 =	sld [smem:$0x3FAE]  }
0x2c: {  	s7 =	sld [smem:$0x3FAF]  }
0x2d: {  	s3 =	simm.s32 $0x108;
	s8 =	sld [smem:$0x3FB0]  }
0x2e: {  	s3 =	simm.s32 @!p0 $0x1082;
	s9 =	sld [smem:$0x3FB1]  }
0x2f: {  	lr =	sadd.s32 s0, s3;
	s0 =	sld [smem:$0x3FA8]  }
0x30: {  	s3 =	sld [smem:$0x3FAB]  }
0x31: {  	[smem:$0x3FB4] =	sst s10  }
0x32: {  	s10 =	sld [smem:$0x3FB2];
	_ =	sdelay $0x3  }
0x33: {  	p0 =	seq.s32 s10, $0x1;
	s10 =	sld [smem:$0x3FB4];
	_ =	sdelay $0x3  }
0x34: {  	[smem:$0x3FB4] =	sst s10  }
0x35: {  	s10 =	sld [smem:$0x3FB3];
	_ =	sdelay $0x3  }
0x36: {  	p1 =	seq.s32 s10, $0x1;
	s10 =	sld [smem:$0x3FB4];
	_ =	sdelay $0x3  }
0x37: {  	[smem:$0x3FB4] =	sst s10  }
0x38: {  	s10 =	sld [smem:$0x3FB5]  }
0x39: {  	_ = 	snop;
	(pc) =	sbr.ind lr, $3  }
0x3a: {  	_ = 	snop  }
0x3b: {  	_ = 	snop  }
0x3c: {  	p2 =	seq.s32 s10, $0x1;
	s10 =	sld [smem:$0x3FB4]  }
0x3d: {  	_ =	shalt  }
0x3e: {  	_ =	shalt  }
0x3f: {  	_ =	shalt  }
0x40: {  	_ =	shalt  }
0x41: {  	_ =	shalt  }
0x42: {  	_ =	shalt  }
0x43: {  	_ =	shalt  }
0x44: {  	_ =	shalt  }
0x45: {  	_ =	shalt  }
0x46: {  	_ =	shalt  }
0x47: {  	_ =	shalt  }
0x48: {  	_ =	shalt  }
0x49: {  	_ =	shalt  }
0x4a: {  	_ =	shalt  }
0x4b: {  	_ =	shalt  }
0x4c: {  	_ =	shalt  }
0x4d: {  	_ =	shalt  }
0x4e: {  	_ =	shalt  }
0x4f: {  	_ =	shalt  }
0x50: {  	_ =	shalt  }
0x51: {  	_ =	shalt  }
0x52: {  	_ =	shalt  }
0x53: {  	_ =	shalt  }
0x54: {  	_ =	shalt  }
0x55: {  	_ =	shalt  }
0x56: {  	_ =	shalt  }
0x57: {  	_ =	shalt  }
0x58: {  	_ =	shalt  }
0x59: {  	_ =	shalt  }
0x5a: {  	_ =	shalt  }
0x5b: {  	_ =	shalt  }
0x5c: {  	_ =	shalt  }
0x5d: {  	_ =	shalt  }
0x5e: {  	_ =	shalt  }
0x5f: {  	_ =	shalt  }
0x60: {  	_ =	shalt  }
0x61: {  	_ =	shalt  }
0x62: {  	_ =	shalt  }
0x63: {  	_ =	shalt  }
0x64: {  	_ =	shalt  }
0x65: {  	_ =	shalt  }
0x66: {  	_ =	shalt  }
0x67: {  	_ =	shalt  }
0x68: {  	_ =	shalt  }
0x69: {  	_ =	shalt  }
0x6a: {  	_ =	shalt  }
0x6b: {  	_ =	shalt  }
0x6c: {  	_ =	shalt  }
0x6d: {  	_ =	shalt  }
0x6e: {  	_ =	shalt  }
0x6f: {  	_ =	shalt  }
0x70: {  	_ =	shalt  }
0x71: {  	_ =	shalt  }
0x72: {  	_ =	shalt  }
0x73: {  	_ =	shalt  }
0x74: {  	_ =	shalt  }
0x75: {  	_ =	shalt  }
0x76: {  	_ =	shalt  }
0x77: {  	_ =	shalt  }
0x78: {  	_ =	shalt  }
0x79: {  	_ =	shalt  }
0x7a: {  	_ =	shalt  }
0x7b: {  	_ =	shalt  }
0x7c: {  	_ =	shalt  }
0x7d: {  	_ =	shalt  }
0x7e: {  	_ =	shalt  }
0x7f: {  	_ =	shalt  }
0x80: {  	_ =	shalt  }
0x81: {  	_ =	shalt  }
0x82: {  	_ =	shalt  }
0x83: {  	_ =	shalt  }
0x84: {  	_ =	shalt  }
0x85: {  	_ =	shalt  }
0x86: {  	_ =	shalt  }
0x87: {  	_ =	shalt  }
.Lfunc_end0:
.L_simem_size_0:
called_computation.1_lowered:
.L_overlay_start_0:
0x88: {  	s2 =	sld [smem:$0x3FD9]  }
0x89: {  	s3 =	sld [smem:$0x3FFE];
	_ =	sdelay $0x1  }
0x8a: {  	s1 =	srdreg.scid  }
0x8b: {  	s0 =	sand.u32 $0x1, s1  }
0x8c: {  	s17 =	sshll.u32 s0, $0xA;
	s2 =	sadd.s32 s3, s2  }
0x8d: {  	s2 =	sadd.s32 s2, s17  }
0x8e: {  	[smem:$0x3FC0] =	sst s2  }
0x8f: {  	_ = 	snop  }
0x90: {  	(tm) =	ssettm $0x1  }
0x91: {  	s18 =	sld [smem:$0x3FFB];
	_ =	sdelay $0x3  }
0x92: {  	_ =	strace s18  }
0x93: {  	s2 =	sld [smem:$0x3FFC];
	_ =	sdelay $0x3  }
0x94: {  	_ =	strace s2  }
0x95: {  	s2 =	sld [smem:$0x3FFD];
	_ =	sdelay $0x3  }
0x96: {  	_ =	strace s2  }
0x97: {  	_ =	strace $0x8FFFFFFF  }
0x98: {  	s19 =	sld [smem:$0x3FDB];
	_ =	sdelay $0x1  }
0x99: {  	s20 =	simm.s32 $_scs_section_size  }
0x9a: {  	s4 =	simm.s32 $_size__tile_overlayer_lowered;
	s5 =	simm.s32 $_tile_overlayer_lowered  }
0x9b: {  	s6 =	simm.s32 $0x1BFF;
	s21 =	sshll.u32 s5, $0x1;
	s3 =	sadd.s32 s20, s19  }
0x9c: {  	s22 =	simm.s32 $0x0;
	s4 =	sshll.u32 s4, $0x1;
	s5 =	sadd.s32 s21, s3  }
0x9d: {  	[timem:s22], [sflag:s6] =	dma.local [hbm:s5], s4  }
0x9e: {  	_ =	swait.ge [sflag:s6], s4  }
0x9f: {  	s4 =	ssub.s32 $0x0, s4;
	[sflag:s6] =	ssyncset.done $0x0  }
0xa0: {  	[sflag:s6] =	ssyncadd.s32 s4;
	_ =	sdelay $0x1  }
0xa1: {  	s23 =	simm.s32 $0x1B8B  }
0xa2: {  	_ =	swait.ge [sflag:s23], $0x1  }
0xa3: {  	[sflag:s23] =	ssyncset.done $0x0  }
0xa4: {  	[sflag:s23] =	ssyncadd.s32 $0xFFFFFFFF  }
0xa5: {  	s4 =	sld [smem:$0x0]  }
0xa6: {  	s5 =	sand.u32 $0xFFFFFFFE, s1  }
0xa7: {  	p0 =	sne.s32 s1, s5  }
0xa8: {  	s5 =	sshll.u32 @p0 s5, $0xE  }
0xa9: {  	s5 =	sadd.s32 @p0 $0x11B8D, s5;
	s6 =	sshll.u32 @p0 s4, $0x11  }
0xaa: {  	s5 =	sor.u32 @p0 s6, s5  }
0xab: {  	[sflag:s5] =	ssyncadd.remote.s32 @p0 $0x1;
	_ =	sdelay $0x1  }
0xac: {  	s5 =	simm.s32 @p0 $0x1B8D  }
0xad: {  	_ =	swait.eq @p0 [sflag:s5], $0x1  }
0xae: {  	[sflag:s5] =	ssyncadd.s32 @p0 $0xFFFFFFFF  }
0xaf: {  	s6 =	sshll.u32 @!p0 s1, $0xE  }
0xb0: {  	s6 =	sor.u32 @!p0 $0x4000, s6;
	s5 =	simm.s32 @!p0 $0x1B8D  }
0xb1: {  	s4 =	sshll.u32 @!p0 s4, $0x11;
	s6 =	sadd.s32 @!p0 $0x11B8D, s6;
	_ =	swait.eq @!p0 [sflag:s5], $0x1  }
0xb2: {  	s4 =	sor.u32 @!p0 s4, s6;
	[sflag:s5] =	ssyncadd.s32 @!p0 $0xFFFFFFFF  }
0xb3: {  	s25 =	simm.s32 $0x1B8E;
	s24 =	sld [smem:$0x3FFE];
	[sflag:s4] =	ssyncadd.remote.s32 @!p0 $0x1  }
0xb4: {  	s26 =	simm.s32 $execute0_lowered;
	[smem:$0x3FD2] =	sst s25  }
0xb5: {  	s5 =	sshll.u32 s26, $0x1;
	_ =	strace $0x80000049;
	[dreg:$0x1] =	wrdreg $0xFFFFFFFF  }
0xb6: {  	s28 =	simm.s32 $_size_execute0_lowered;
	s3 =	sadd.s32 s3, s5;
	[dreg:$0x0] =	wrdreg $0x0  }
0xb7: {  	s5 =	sshll.u32 s28, $0x1;
	[dreg:$0x2] =	wrdreg s3  }
0xb8: {  	[dreg:$0x3] =	wrdreg s5  }
0xb9: {  	[dreg:$0x4] =	wrdreg $0xC0  }
0xba: {  	_ =	task [dreg:s22], $0x5FFFF  }
0xbb: {  	[dreg:$0x1] =	wrdreg $0xFFFFFFFF  }
0xbc: {  	[dreg:$0x0] =	wrdreg $0x60  }
0xbd: {  	[dreg:$0x2] =	wrdreg s24  }
0xbe: {  	[dreg:$0x3] =	wrdreg $0xA8000  }
0xbf: {  	[dreg:$0x4] =	wrdreg $0xA  }
0xc0: {  	_ =	task.clear_ibuf [dreg:s22], $0x5FFFF;
	_ =	strace $0x90000049  }
0xc1: {  	s29 =	simm.s32 $0xA;
	_ =	strace $0x8000004B  }
0xc2: {  	_ =	swait.ge [sflag:s29], $0x1  }
0xc3: {  	[sflag:s29] =	ssyncadd.s32 $0xFFFFFFFF  }
0xc4: {  	_ =	strace $0x9000004B  }
0xc5: {  	_ =	sfence  }
0xc6: {  	s30 =	sld [smem:$0x0];
	_ =	sdelay $0x2  }
0xc7: {  	s31 =	sshll.u32 s1, $0xD;
	s1 =	sshrl.u32 s1, $0x2  }
0xc8: {  	s4 =	sand.u32 $0x4000, s31;
	s1 =	sadd.s32 s1, s30  }
0xc9: {  	s0 =	sor.u32 s4, s0;
	s1 =	sshll.u32 s1, $0x11  }
0xca: {  	s0 =	sor.u32 s1, s0  }
0xcb: {  	s0 =	sadd.s32 $0x8F2B, s0  }
0xcc: {  	[sflag:s0] =	ssyncadd.remote.s32 $0x1  }
0xcd: {  	_ =	sfence.sel $0xFFFF  }
0xce: {  	[dreg:$0x0] =	wrdreg $0xFFFFFFFF;
	(pc) =	sbr.abs _section_cstart, $3  }
0xcf: {  	[dreg:$0x1] =	wrdreg $0xFFFFFFFF  }
0xd0: {  	_ =	task.clear_ibuf [dreg:s22], $0x2FFFF;
	_ =	strace $0x9FFFFFFF  }
0xd1: {  	(tm) =	ssettm $0x7FFFFFFF  }
tec
execute0_lowered:
.L_overlay_start_1:
0x0: {  	(tag) =	ssettag $0x1  }
0x1: {  	s0 =	srdreg.scid;
	s8 =	rddreg [dreg:$0x0]  }
0x2: {  	s2 =	rddreg [dreg:$0x1];
	s1 =	stileid.u32;
	s3 =	simm.s32 $0x0  }
0x3: {  	s15 =	simm.s32 $0x2800;
	s16 =	simm.s32 $0x6800;
	s17 =	simm.s32 $0x1  }
0x4: {  	s18 =	simm.s32 $0x2;
	s19 =	simm.s32 $0x1380;
	s20 =	simm.s32 $0x2700  }
0x5: {  	s21 =	simm.s32 $0x2780;
	s6 =	sand.u32 $0x1, s0;
	s0 =	rddreg [dreg:$0x2]  }
0x6: {  	s22 =	simm.s32 $0x0;
	[smem:$0x7FF] =	sst s3;
	s9 =	smul.u32 $0x50000, s1  }
0x7: {  	s31 =	sshll.u32 s1, $0x6;
	s13 =	smul.u32 $0x2800, s1;
	s4 =	sshll.u32 s6, $0x4  }
0x8: {  	_ =	strace $0x8000004A;
	s7 =	ssub.s32 $0x2, s6;
	p0 =	seq.s32 s6, $0x1  }
0x9: {  	s6 =	sor.u32 $0x1C03, s31;
	s4 =	sor.u32 s1, s4;
	s11 =	sshrl.u32 s7, $0x1  }
0xa: {  	s30 =	sshrl.u32 s9, $0x2;
	s9 =	simm.s32 $0xAF400;
	s5 =	smul.u32 $0x280, s4  }
0xb: {  	s4 =	sadd.s32 $0x60200, s8;
	s11 =	ssub.s32 s7, s11;
	s9 =	simm.s32 @!p0 $0x87400  }
0xc: {  	s12 =	sadd.s32 s30, s2;
	s14 =	sadd.s32 s9, s8;
	s9 =	smax.u32 s11, $0x1  }
0xd: {  	s11 =	sshrl.u32 s12, $0x3;
	s12 =	simm.s32 $0x3;
	s10 =	sadd.s32 s5, s8  }
0xe: {  	s5 =	sadd.s32 $0x8A00, s8;
	s7 =	sadd.s32 $0x5B200, s10;
	s8 =	sadd.s32 $0x3A00, s10  }
0xf: {  	s10 =	sadd.s32 s14, s13;
	s13 =	simm.s32 $0x1400;
	s14 =	simm.s32 $0x80  }
.LBB2_1:
0x10: {  	[spmem:s11], [sflag:s6] =	dma.local [hbm:s5], $0x2800  }
0x11: {  	_ =	swait.ge [sflag:s12], $0x2800  }
0x12: {  	[sflag:s12] =	ssyncset.done $0x0  }
0x13: {  	[sflag:s12] =	ssyncadd.s32 $0xFFFFD800  }
0x14: {  	[tilespmem:s3], [sflag:$0x3] =	stream.linear.gather [hbm4b:s7+s3], $0x1400, $0x38;
	[tilespmem:$0x1E800] =	vst v63  }
0x15: {  	_ =	swait.ge [sflag:s12], $0x1400  }
0x16: {  	[sflag:s12] =	ssyncset.done $0x0  }
0x17: {  	[sflag:s12] =	ssyncadd.s32 $0xFFFFEC00  }
0x18: {  	[tilespmem:s13], [sflag:$0x3] =	stream.linear.gather [hbm4b:s8+s3], $0x1400, $0x38;
	[tilespmem:$0x1E800] =	vst v63  }
0x19: {  	_ =	swait.ge [sflag:s12], $0x1400  }
0x1a: {  	[sflag:s12] =	ssyncset.done $0x0  }
0x1b: {  	[sflag:s12] =	ssyncadd.s32 $0xFFFFEC00  }
0x1c: {  	[bflag:$0x0] =	sbarrier.arrive $0xFFFF  }
0x1d: {  	[tilespmem:s15], [sflag:$0x1] =	stream.indirect.gather [hbm4b:s4+s14], $0x80, s3, s14, $0xb8;
	[tilespmem:$0x1E800] =	vst v63  }
0x1e: {  	s23 =	simm.s32 $0x80  }
0x1f: {  	[tilespmem:s16], [sflag:$0x2] =	stream.indirect.gather [hbm4b:s4+s14], $0x80, s23, s14, $0xb8;
	[tilespmem:$0x1E800] =	vst v63  }
0x20: {  	_ =	swait.ge [sflag:s17], $0x4000  }
0x21: {  	[sflag:s17] =	ssyncset.done $0x0  }
0x22: {  	s29 =	simm.s32 $0x1400;
	[sflag:s17] =	ssyncadd.s32 $0xFFFFC000  }
0x23: {  	[spmem:s2] =	stream.indirect.scatter.add.f32 [tilespmem:s15], [sflag:$0x3], $0x80, s29, s14, $0xb8;
	[tilespmem:$0x1E800] =	vst v63  }
0x24: {  	_ =	swait.ge [sflag:s12], $0x4000  }
0x25: {  	[sflag:s12] =	ssyncset.done $0x0  }
0x26: {  	s30 =	simm.s32 $0x100;
	[sflag:s12] =	ssyncadd.s32 $0xFFFFC000  }
0x27: {  	[tilespmem:s15], [sflag:$0x1] =	stream.indirect.gather [hbm4b:s4+s14], $0x80, s30, s14, $0xb8;
	[tilespmem:$0x1E800] =	vst v63  }
0x28: {  	_ =	swait.ge [sflag:s18], $0x4000  }
0x29: {  	[sflag:s18] =	ssyncset.done $0x0  }
0x2a: {  	s31 =	simm.s32 $0x1480;
	[sflag:s18] =	ssyncadd.s32 $0xFFFFC000  }
0x2b: {  	[spmem:s2] =	stream.indirect.scatter.add.f32 [tilespmem:s16], [sflag:$0x3], $0x80, s31, s14, $0xb8;
	[tilespmem:$0x1E800] =	vst v63  }
0x2c: {  	_ =	swait.ge [sflag:s12], $0x4000  }
0x2d: {  	s24 =	simm.s32 $0x800;
	s23 =	simm.s32 $0x100;
	[sflag:s12] =	ssyncset.done $0x0  }
.LBB2_2:
0x2e: {  	s25 =	sadd.s32 $0x80, s23  }
0x2f: {  	[sflag:s12] =	ssyncadd.s32 $0xFFFFC000;
	s26 =	smov.u32 s24;
	s28 =	sadd.s32 $0x400, s24  }
0x30: {  	[tilespmem:s16], [sflag:$0x2] =	stream.indirect.gather [hbm4b:s4+s14], $0x80, s25, s14, $0xb8;
	[tilespmem:$0x1E800] =	vst v63  }
0x31: {  	p0 =	sne.s32 s24, $0x4800;
	_ =	swait.ge [sflag:s17], $0x4000  }
0x32: {  	[sflag:s17] =	ssyncset.done $0x0  }
0x33: {  	s24 =	sadd.s32 $0x1400, s23;
	[sflag:s17] =	ssyncadd.s32 $0xFFFFC000  }
0x34: {  	[spmem:s2] =	stream.indirect.scatter.add.f32 [tilespmem:s15], [sflag:$0x3], $0x80, s24, s14, $0xb8;
	[tilespmem:$0x1E800] =	vst v63  }
0x35: {  	_ =	swait.ge [sflag:s12], $0x4000  }
0x36: {  	[sflag:s12] =	ssyncset.done $0x0  }
0x37: {  	s24 =	sadd.s32 $0x100, s23;
	[sflag:s12] =	ssyncadd.s32 $0xFFFFC000  }
0x38: {  	[tilespmem:s15], [sflag:$0x1] =	stream.indirect.gather [hbm4b:s4+s14], $0x80, s24, s14, $0xb8;
	[tilespmem:$0x1E800] =	vst v63  }
0x39: {  	_ =	swait.ge [sflag:s18], $0x4000  }
.Ltmp0:
0x3a: {  	[sflag:s18] =	ssyncset.done $0x0;
	(pc) =	sbr.rel @p0 .LBB2_2-.Ltmp0, $4  }
0x3b: {  	s23 =	sadd.s32 $0x1480, s23;
	[sflag:s18] =	ssyncadd.s32 $0xFFFFC000  }
0x3c: {  	[spmem:s2] =	stream.indirect.scatter.add.f32 [tilespmem:s16], [sflag:$0x3], $0x80, s23, s14, $0xb8;
	[tilespmem:$0x1E800] =	vst v63  }
0x3d: {  	_ =	swait.ge [sflag:s12], $0x4000  }
0x3e: {  	s24 =	smov.u32 s28;
	s23 =	sshra.s32 s26, $0x2;
	[sflag:s12] =	ssyncset.done $0x0  }
0x3f: {  	s24 =	sadd.s32 $0x80, s23;
	[sflag:s12] =	ssyncadd.s32 $0xFFFFC000  }
0x40: {  	[tilespmem:s16], [sflag:$0x2] =	stream.indirect.gather [hbm4b:s4+s14], $0x80, s24, s14, $0xb8;
	[tilespmem:$0x1E800] =	vst v63  }
0x41: {  	_ =	swait.ge [sflag:s17], $0x4000  }
0x42: {  	[sflag:s17] =	ssyncset.done $0x0  }
0x43: {  	s29 =	sadd.s32 $0x1400, s23;
	[sflag:s17] =	ssyncadd.s32 $0xFFFFC000  }
0x44: {  	[spmem:s2] =	stream.indirect.scatter.add.f32 [tilespmem:s15], [sflag:$0x3], $0x80, s29, s14, $0xb8;
	[tilespmem:$0x1E800] =	vst v63  }
0x45: {  	_ =	swait.ge [sflag:s12], $0x4000  }
0x46: {  	[sflag:s12] =	ssyncset.done $0x0  }
0x47: {  	s30 =	sadd.s32 $0x100, s23;
	[sflag:s12] =	ssyncadd.s32 $0xFFFFC000  }
0x48: {  	[tilespmem:s15], [sflag:$0x1] =	stream.indirect.gather [hbm4b:s4+s14], $0x80, s30, s14, $0xb8;
	[tilespmem:$0x1E800] =	vst v63  }
0x49: {  	_ =	swait.ge [sflag:s18], $0x4000  }
0x4a: {  	[sflag:s18] =	ssyncset.done $0x0  }
0x4b: {  	s31 =	sadd.s32 $0x1480, s23;
	[sflag:s18] =	ssyncadd.s32 $0xFFFFC000  }
0x4c: {  	[spmem:s2] =	stream.indirect.scatter.add.f32 [tilespmem:s16], [sflag:$0x3], $0x80, s31, s14, $0xb8;
	[tilespmem:$0x1E800] =	vst v63  }
0x4d: {  	_ =	swait.ge [sflag:s12], $0x4000  }
0x4e: {  	[sflag:s12] =	ssyncset.done $0x0  }
0x4f: {  	[sflag:s12] =	ssyncadd.s32 $0xFFFFC000  }
0x50: {  	[tilespmem:s16], [sflag:$0x2] =	stream.indirect.gather [hbm4b:s4+s14], $0x80, s19, s14, $0xb8;
	[tilespmem:$0x1E800] =	vst v63  }
0x51: {  	_ =	swait.ge [sflag:s17], $0x4000  }
0x52: {  	[sflag:s17] =	ssyncset.done $0x0  }
0x53: {  	[sflag:s17] =	ssyncadd.s32 $0xFFFFC000  }
0x54: {  	[spmem:s2] =	stream.indirect.scatter.add.f32 [tilespmem:s15], [sflag:$0x3], $0x80, s20, s14, $0xb8;
	[tilespmem:$0x1E800] =	vst v63  }
0x55: {  	_ =	swait.ge [sflag:s12], $0x4000  }
0x56: {  	[sflag:s12] =	ssyncset.done $0x0  }
0x57: {  	[sflag:s12] =	ssyncadd.s32 $0xFFFFC000  }
0x58: {  	_ =	swait.ge [sflag:s18], $0x4000  }
0x59: {  	[sflag:s18] =	ssyncset.done $0x0  }
0x5a: {  	[sflag:s18] =	ssyncadd.s32 $0xFFFFC000  }
0x5b: {  	[spmem:s2] =	stream.indirect.scatter.add.f32 [tilespmem:s16], [sflag:$0x3], $0x80, s21, s14, $0xb8;
	[tilespmem:$0x1E800] =	vst v63  }
0x5c: {  	_ =	swait.ge [sflag:s12], $0x4000  }
0x5d: {  	s22 =	sadd.s32 $0x1, s22;
	[sflag:s12] =	ssyncset.done $0x0  }
0x5e: {  	p0 =	sne.s32 s22, s9;
	[sflag:s12] =	ssyncadd.s32 $0xFFFFC000  }
.Ltmp1:
0x5f: {  	[bflag:$0x0] =	sbarrier.arrive $0xFFFF;
	(pc) =	sbr.rel @p0 .LBB2_1-.Ltmp1, $4  }
0x60: {  	[hbm:s10], [sflag:s6] =	dma.local [spmem:s11], $0x2800  }
0x61: {  	_ =	swait.ge [sflag:s12], $0x2800  }
0x62: {  	[sflag:s12] =	ssyncset.done $0x0  }
0x63: {  	[sflag:s12] =	ssyncadd.s32 $0xFFFFD800  }
0x64: {  	_ =	sfence.sel $0x180000  }
0x65: {  	[bflag:$0x0] =	sbarrier.arrive $0xFFFF  }
0x66: {  	p0 =	sne.s32 s1, $0x0;
	_ =	strace $0x9000004A  }
0x67: {  	s0 =	sadd.s32 @!p0 $0x100000, s0;
	[bflag:$0x2] =	sbarrier.arrive $0xFFFF  }
0x68: {  	[sflag:s0] =	ssyncadd.tile.s32 @!p0 $0x1;
	_ =	shalt  }
.Lfunc_end2:
_tile_overlayer_lowered:
.L_overlay_start_2:
0x69: {  	(tag) =	ssettag $0x2  }
0x6a: {  	s0 =	rddreg [dreg:$0x0];
	s2 =	stileid.u32  }
0x6b: {  	s1 =	rddreg [dreg:$0x1];
	p0 =	sne.s32 s2, $0x0  }
0x6c: {  	s3 =	rddreg [dreg:$0x2];
	[bflag:$0x3] =	sbarrier.arrive $0xFFFF;
	s2 =	simm.s32 @!p0 $0x1C03  }
0x6d: {  	[timem:s3], [sflag:s2] =	dma.local @!p0 [hbm:s0], s1  }
0x6e: {  	s0 =	simm.s32 @!p0 $0x3  }
0x6f: {  	_ =	swait.ge @!p0 [sflag:s0], s1  }
0x70: {  	s1 =	ssub.s32 @!p0 $0x0, s1;
	[sflag:s0] =	ssyncset.done @!p0 $0x0  }
0x71: {  	[sflag:s0] =	ssyncadd.s32 @!p0 s1  }
0x72: {  	[bflag:$0x3] =	sbarrier.arrive $0xFFFF  }
0x73: {  	_ =	shalt  }

// kernel: kernel.14.cloned.1.call-start
scs
__scs_entry_jumppad:
0x0: {  	(pc) =	sbr.rel $0x88, $3  }
0x1: {  	(tag) =	ssettag $0x0;
	lr =	simm.s32 $0x1  }
0x2: {  	[smem:$0x3F99] =	sst lr;
	_ =	strace $0xD0000000  }
0x3: {  	_ = 	snop  }
0x4: {  	_ = 	snop  }
0x5: {  	_ = 	snop  }
0x6: {  	_ = 	snop  }
0x7: {  	_ = 	snop  }
__scs_overlays_trampoline_lowered:
0x8: {  	[smem:$0x3FA8] =	sst s0  }
0x9: {  	[smem:$0x3FA9] =	sst s1  }
0xa: {  	[smem:$0x3FAA] =	sst s2  }
0xb: {  	[smem:$0x3FAB] =	sst s3  }
0xc: {  	[smem:$0x3FAC] =	sst s4  }
0xd: {  	[smem:$0x3FAD] =	sst s5  }
0xe: {  	[smem:$0x3FAE] =	sst s6  }
0xf: {  	[smem:$0x3FAF] =	sst s7  }
0x10: {  	[smem:$0x3FB0] =	sst s8  }
0x11: {  	[smem:$0x3FB1] =	sst s9;
	s0 =	simm.s32 @!p0 $0x0  }
0x12: {  	s1 =	sld [smem:$0x3F97];
	s0 =	simm.s32 @p0 $0x1  }
0x13: {  	[smem:$0x3FB2] =	sst s0;
	s0 =	simm.s32 @!p1 $0x0  }
0x14: {  	s2 =	sld [smem:$0x3F96];
	s0 =	simm.s32 @p1 $0x1  }
0x15: {  	[smem:$0x3FB3] =	sst s0;
	s0 =	simm.s32 @!p2 $0x0  }
0x16: {  	s3 =	sld [smem:$0x3FDB];
	s0 =	simm.s32 @p2 $0x1  }
0x17: {  	s4 =	simm.s32 $0x1BF5;
	[smem:$0x3FB5] =	sst s0  }
0x18: {  	s0 =	sld [smem:$0x3F98];
	_ =	swait.ge [sflag:s4], $0x0  }
0x19: {  	s7 =	sld [smem:$0x3F99]  }
0x1a: {  	s8 =	sadd.s32 $0xFFFFE003, lr  }
0x1b: {  	s9 =	sadd.s32 $0xFFFFFEF7, lr;
	s5 =	simm.s32 $0xFFFFFFFF;
	p2 =	slt.u32 s8, $0xFFFFF086  }
0x1c: {  	p1 =	slt.u32 s9, $0xF7A;
	s5 =	simm.s32 @!p2 $0x0  }
0x1d: {  	s5 =	simm.s32 @p1 $0x1;
	p0 =	seq.s32 s7, s2  }
0x1e: {  	s7 =	smul.u32 @!p0 $0xF7A, s2;
	p2 =	seq.s32 @!p0 s5, $0x0  }
0x1f: {  	s9 =	smul.u32 $0xF7A, s1;
	s8 =	simm.s32 @!p0 $0x1BF5;
	p2 =	por !p2, p0  }
0x20: {  	[sflag:s8] =	ssyncset.s32 @!p0 $0xFFFFF086;
	s6 =	sadd.s32 @!p0 s3, s7;
	s7 =	simm.s32 @!p0 $0x108  }
0x21: {  	s3 =	sadd.s32 s3, s9;
	s6 =	sadd.s32 @!p0 $0x88, s6;
	s7 =	simm.s32 @p2 $0x1082  }
0x22: {  	[simem:s7], [sflag:s8] =	dma.local @!p0 [hbm:s6], $0xF7A  }
0x23: {  	s9 =	sor.u32 $0xD0000000, s2;
	s6 =	simm.s32 $0x108;
	_ =	swait.ge @!p0 [sflag:s8], $0x0  }
0x24: {  	s3 =	sadd.s32 $0x88, s3;
	s6 =	simm.s32 @!p1 $0x1082;
	[sflag:s4] =	ssyncset.s32 $0xFFFFF086  }
0x25: {  	[simem:s6], [sflag:s4] =	dma.local [hbm:s3], $0xF7A  }
0x26: {  	[smem:$0x3F99] =	sst s1;
	(tag) =	ssettag s2;
	_ =	strace s9  }
0x27: {  	s1 =	sld [smem:$0x3FA9]  }
0x28: {  	s2 =	sld [smem:$0x3FAA]  }
0x29: {  	s4 =	sld [smem:$0x3FAC]  }
0x2a: {  	p0 =	seq.s32 s5, $0x0;
	s5 =	sld [smem:$0x3FAD]  }
0x2b: {  	s6 =	sld [smem:$0x3FAE]  }
0x2c: {  	s7 =	sld [smem:$0x3FAF]  }
0x2d: {  	s3 =	simm.s32 $0x108;
	s8 =	sld [smem:$0x3FB0]  }
0x2e: {  	s3 =	simm.s32 @!p0 $0x1082;
	s9 =	sld [smem:$0x3FB1]  }
0x2f: {  	lr =	sadd.s32 s0, s3;
	s0 =	sld [smem:$0x3FA8]  }
0x30: {  	s3 =	sld [smem:$0x3FAB]  }
0x31: {  	[smem:$0x3FB4] =	sst s10  }
0x32: {  	s10 =	sld [smem:$0x3FB2];
	_ =	sdelay $0x3  }
0x33: {  	p0 =	seq.s32 s10, $0x1;
	s10 =	sld [smem:$0x3FB4];
	_ =	sdelay $0x3  }
0x34: {  	[smem:$0x3FB4] =	sst s10  }
0x35: {  	s10 =	sld [smem:$0x3FB3];
	_ =	sdelay $0x3  }
0x36: {  	p1 =	seq.s32 s10, $0x1;
	s10 =	sld [smem:$0x3FB4];
	_ =	sdelay $0x3  }
0x37: {  	[smem:$0x3FB4] =	sst s10  }
0x38: {  	s10 =	sld [smem:$0x3FB5]  }
0x39: {  	_ = 	snop;
	(pc) =	sbr.ind lr, $3  }
0x3a: {  	_ = 	snop  }
0x3b: {  	_ = 	snop  }
0x3c: {  	p2 =	seq.s32 s10, $0x1;
	s10 =	sld [smem:$0x3FB4]  }
0x3d: {  	_ =	shalt  }
0x3e: {  	_ =	shalt  }
0x3f: {  	_ =	shalt  }
0x40: {  	_ =	shalt  }
0x41: {  	_ =	shalt  }
0x42: {  	_ =	shalt  }
0x43: {  	_ =	shalt  }
0x44: {  	_ =	shalt  }
0x45: {  	_ =	shalt  }
0x46: {  	_ =	shalt  }
0x47: {  	_ =	shalt  }
0x48: {  	_ =	shalt  }
0x49: {  	_ =	shalt  }
0x4a: {  	_ =	shalt  }
0x4b: {  	_ =	shalt  }
0x4c: {  	_ =	shalt  }
0x4d: {  	_ =	shalt  }
0x4e: {  	_ =	shalt  }
0x4f: {  	_ =	shalt  }
0x50: {  	_ =	shalt  }
0x51: {  	_ =	shalt  }
0x52: {  	_ =	shalt  }
0x53: {  	_ =	shalt  }
0x54: {  	_ =	shalt  }
0x55: {  	_ =	shalt  }
0x56: {  	_ =	shalt  }
0x57: {  	_ =	shalt  }
0x58: {  	_ =	shalt  }
0x59: {  	_ =	shalt  }
0x5a: {  	_ =	shalt  }
0x5b: {  	_ =	shalt  }
0x5c: {  	_ =	shalt  }
0x5d: {  	_ =	shalt  }
0x5e: {  	_ =	shalt  }
0x5f: {  	_ =	shalt  }
0x60: {  	_ =	shalt  }
0x61: {  	_ =	shalt  }
0x62: {  	_ =	shalt  }
0x63: {  	_ =	shalt  }
0x64: {  	_ =	shalt  }
0x65: {  	_ =	shalt  }
0x66: {  	_ =	shalt  }
0x67: {  	_ =	shalt  }
0x68: {  	_ =	shalt  }
0x69: {  	_ =	shalt  }
0x6a: {  	_ =	shalt  }
0x6b: {  	_ =	shalt  }
0x6c: {  	_ =	shalt  }
0x6d: {  	_ =	shalt  }
0x6e: {  	_ =	shalt  }
0x6f: {  	_ =	shalt  }
0x70: {  	_ =	shalt  }
0x71: {  	_ =	shalt  }
0x72: {  	_ =	shalt  }
0x73: {  	_ =	shalt  }
0x74: {  	_ =	shalt  }
0x75: {  	_ =	shalt  }
0x76: {  	_ =	shalt  }
0x77: {  	_ =	shalt  }
0x78: {  	_ =	shalt  }
0x79: {  	_ =	shalt  }
0x7a: {  	_ =	shalt  }
0x7b: {  	_ =	shalt  }
0x7c: {  	_ =	shalt  }
0x7d: {  	_ =	shalt  }
0x7e: {  	_ =	shalt  }
0x7f: {  	_ =	shalt  }
0x80: {  	_ =	shalt  }
0x81: {  	_ =	shalt  }
0x82: {  	_ =	shalt  }
0x83: {  	_ =	shalt  }
0x84: {  	_ =	shalt  }
0x85: {  	_ =	shalt  }
0x86: {  	_ =	shalt  }
0x87: {  	_ =	shalt  }
.Lfunc_end0:
.L_simem_size_0:
called_computation.2_lowered:
.L_overlay_start_0:
0x88: {  	s2 =	sld [smem:$0x3FD9]  }
0x89: {  	s3 =	sld [smem:$0x3FFE];
	_ =	sdelay $0x1  }
0x8a: {  	s1 =	srdreg.scid  }
0x8b: {  	s0 =	sand.u32 $0x1, s1  }
0x8c: {  	s17 =	sshll.u32 s0, $0xA;
	s2 =	sadd.s32 s3, s2  }
0x8d: {  	s2 =	sadd.s32 s2, s17  }
0x8e: {  	[smem:$0x3FC0] =	sst s2  }
0x8f: {  	_ = 	snop  }
0x90: {  	s2 =	sld [smem:$0x3FD0];
	(tm) =	ssettm $0x1  }
0x91: {  	s18 =	sld [smem:$0x3FFB];
	_ =	sdelay $0x3  }
0x92: {  	_ =	strace s18  }
0x93: {  	s3 =	sld [smem:$0x3FFC];
	_ =	sdelay $0x3  }
0x94: {  	_ =	strace s3  }
0x95: {  	s3 =	sld [smem:$0x3FFD];
	_ =	sdelay $0x3  }
0x96: {  	_ =	strace s3  }
0x97: {  	_ =	strace $0x8FFFFFFF  }
0x98: {  	s19 =	sld [smem:$0x3FDB];
	_ =	sdelay $0x1  }
0x99: {  	s4 =	simm.s32 $_scs_section_size  }
0x9a: {  	s5 =	simm.s32 $_size__tile_overlayer_lowered;
	s6 =	simm.s32 $_tile_overlayer_lowered  }
0x9b: {  	s22 =	simm.s32 $0x1BFF;
	s21 =	sshll.u32 s6, $0x1;
	s3 =	sadd.s32 s4, s19  }
0x9c: {  	s7 =	simm.s32 $0x0;
	s20 =	sshll.u32 s5, $0x1;
	s5 =	sadd.s32 s21, s3  }
0x9d: {  	[timem:s7], [sflag:s22] =	dma.local [hbm:s5], s20  }
0x9e: {  	_ =	swait.ge [sflag:s22], s20  }
0x9f: {  	s4 =	ssub.s32 $0x0, s20;
	[sflag:s22] =	ssyncset.done $0x0  }
0xa0: {  	[sflag:s22] =	ssyncadd.s32 s4;
	_ =	sdelay $0x1  }
0xa1: {  	s23 =	simm.s32 $0x1B8B  }
0xa2: {  	_ =	swait.ge [sflag:s23], $0x1  }
0xa3: {  	[sflag:s23] =	ssyncset.done $0x0  }
0xa4: {  	s25 =	simm.s32 $0x1B8E;
	s24 =	sld [smem:$0x3FFE];
	[sflag:s23] =	ssyncadd.s32 $0xFFFFFFFF  }
0xa5: {  	s26 =	simm.s32 $execute0_lowered;
	[smem:$0x3FD2] =	sst s25  }
0xa6: {  	s5 =	sshll.u32 s26, $0x1;
	_ =	strace $0x8000004C;
	[dreg:$0x1] =	wrdreg $0xFFFFFFFF  }
0xa7: {  	s28 =	simm.s32 $_size_execute0_lowered;
	s3 =	sadd.s32 s3, s5;
	[dreg:$0x0] =	wrdreg $0x0  }
0xa8: {  	s5 =	sshll.u32 s28, $0x1;
	[dreg:$0x2] =	wrdreg s3  }
0xa9: {  	[dreg:$0x3] =	wrdreg s5  }
0xaa: {  	[dreg:$0x4] =	wrdreg $0xC0  }
0xab: {  	_ =	task [dreg:s7], $0x5FFFF  }
0xac: {  	[dreg:$0x1] =	wrdreg $0xFFFFFFFF  }
0xad: {  	[dreg:$0x0] =	wrdreg $0x60  }
0xae: {  	[dreg:$0x2] =	wrdreg s24  }
0xaf: {  	[dreg:$0x3] =	wrdreg s2  }
0xb0: {  	[dreg:$0x4] =	wrdreg $0xA8000  }
0xb1: {  	[dreg:$0x5] =	wrdreg $0x9  }
0xb2: {  	_ =	task.clear_ibuf [dreg:s7], $0x6FFFF;
	_ =	strace $0x9000004C  }
0xb3: {  	s29 =	simm.s32 $0x9;
	_ =	strace $0x8000004E  }
0xb4: {  	_ =	swait.ge [sflag:s29], $0x1  }
0xb5: {  	[sflag:s29] =	ssyncadd.s32 $0xFFFFFFFF  }
0xb6: {  	_ =	strace $0x9000004E  }
0xb7: {  	_ =	sfence  }
0xb8: {  	s30 =	sld [smem:$0x0];
	_ =	sdelay $0x2  }
0xb9: {  	s31 =	sshll.u32 s1, $0xD;
	s1 =	sshrl.u32 s1, $0x2  }
0xba: {  	s3 =	sand.u32 $0x4000, s31;
	s1 =	sadd.s32 s1, s30  }
0xbb: {  	s0 =	sor.u32 s3, s0;
	s1 =	sshll.u32 s1, $0x11  }
0xbc: {  	s0 =	sor.u32 s1, s0  }
0xbd: {  	s0 =	sadd.s32 $0x8F2B, s0  }
0xbe: {  	[sflag:s0] =	ssyncadd.remote.s32 $0x1  }
0xbf: {  	_ =	sfence.sel $0xFFFF  }
0xc0: {  	[dreg:$0x0] =	wrdreg $0xFFFFFFFF;
	(pc) =	sbr.abs _section_cstart, $3  }
0xc1: {  	[dreg:$0x1] =	wrdreg $0xFFFFFFFF  }
0xc2: {  	_ =	task.clear_ibuf [dreg:s7], $0x2FFFF;
	_ =	strace $0x9FFFFFFF  }
0xc3: {  	(tm) =	ssettm $0x7FFFFFFF  }
tec
execute0_lowered:
.L_overlay_start_1:
0x0: {  	(tag) =	ssettag $0x1  }
0x1: {  	s6 =	rddreg [dreg:$0x0]  }
0x2: {  	s0 =	srdreg.scid;
	s10 =	rddreg [dreg:$0x1]  }
0x3: {  	s2 =	rddreg [dreg:$0x2];
	s1 =	stileid.u32  }
0x4: {  	s3 =	simm.s32 $0x0;
	s15 =	simm.s32 $0x2800;
	s16 =	simm.s32 $0x6800  }
0x5: {  	s17 =	simm.s32 $0x1;
	s18 =	simm.s32 $0x2;
	s19 =	simm.s32 $0x1380  }
0x6: {  	s20 =	simm.s32 $0x2700;
	s7 =	sand.u32 $0x1, s0;
	s0 =	rddreg [dreg:$0x3]  }
0x7: {  	s21 =	simm.s32 $0x2780;
	s22 =	simm.s32 $0x0;
	[smem:$0x7FF] =	sst s3  }
0x8: {  	s8 =	smul.u32 $0x50000, s1;
	s13 =	sadd.s32 $0x32400, s6;
	s31 =	sshll.u32 s1, $0x6  }
0x9: {  	s14 =	smul.u32 $0x2800, s1;
	s4 =	sshll.u32 s7, $0x4;
	_ =	strace $0x8000004D  }
0xa: {  	s11 =	ssub.s32 $0x2, s7;
	p0 =	seq.s32 s7, $0x1;
	s4 =	sor.u32 s1, s4  }
0xb: {  	s12 =	sshrl.u32 s11, $0x1;
	s8 =	sshrl.u32 s8, $0x2;
	s10 =	smov.u32 @p0 s13  }
0xc: {  	s13 =	simm.s32 $0x1400;
	s5 =	smul.u32 $0x280, s4;
	s4 =	sadd.s32 $0xB200, s6  }
0xd: {  	s11 =	ssub.s32 s11, s12;
	s30 =	sadd.s32 s8, s2;
	s10 =	sadd.s32 s10, s14  }
0xe: {  	s12 =	simm.s32 $0x3;
	s14 =	simm.s32 $0x80;
	s9 =	sadd.s32 s5, s6  }
0xf: {  	s5 =	sadd.s32 $0x8A00, s6;
	s6 =	sor.u32 $0x1C03, s31;
	s7 =	sadd.s32 $0x5B200, s9  }
0x10: {  	s8 =	sadd.s32 $0x3A00, s9;
	s9 =	smax.u32 s11, $0x1;
	s11 =	sshrl.u32 s30, $0x3  }
.LBB2_1:
0x11: {  	[spmem:s11], [sflag:s6] =	dma.local [hbm:s5], $0x2800  }
0x12: {  	_ =	swait.ge [sflag:s12], $0x2800  }
0x13: {  	[sflag:s12] =	ssyncset.done $0x0  }
0x14: {  	[sflag:s12] =	ssyncadd.s32 $0xFFFFD800  }
0x15: {  	[tilespmem:s3], [sflag:$0x3] =	stream.linear.gather [hbm4b:s7+s3], $0x1400, $0x38;
	[tilespmem:$0x1E800] =	vst v63  }
0x16: {  	_ =	swait.ge [sflag:s12], $0x1400  }
0x17: {  	[sflag:s12] =	ssyncset.done $0x0  }
0x18: {  	[sflag:s12] =	ssyncadd.s32 $0xFFFFEC00  }
0x19: {  	[tilespmem:s13], [sflag:$0x3] =	stream.linear.gather [hbm4b:s8+s3], $0x1400, $0x38;
	[tilespmem:$0x1E800] =	vst v63  }
0x1a: {  	_ =	swait.ge [sflag:s12], $0x1400  }
0x1b: {  	[sflag:s12] =	ssyncset.done $0x0  }
0x1c: {  	[sflag:s12] =	ssyncadd.s32 $0xFFFFEC00  }
0x1d: {  	[bflag:$0x0] =	sbarrier.arrive $0xFFFF  }
0x1e: {  	[tilespmem:s15], [sflag:$0x1] =	stream.indirect.gather [hbm4b:s4+s14], $0x80, s3, s14, $0xb8;
	[tilespmem:$0x1E800] =	vst v63  }
0x1f: {  	s23 =	simm.s32 $0x80  }
0x20: {  	[tilespmem:s16], [sflag:$0x2] =	stream.indirect.gather [hbm4b:s4+s14], $0x80, s23, s14, $0xb8;
	[tilespmem:$0x1E800] =	vst v63  }
0x21: {  	_ =	swait.ge [sflag:s17], $0x4000  }
0x22: {  	[sflag:s17] =	ssyncset.done $0x0  }
0x23: {  	s29 =	simm.s32 $0x1400;
	[sflag:s17] =	ssyncadd.s32 $0xFFFFC000  }
0x24: {  	[spmem:s2] =	stream.indirect.scatter.add.f32 [tilespmem:s15], [sflag:$0x3], $0x80, s29, s14, $0xb8;
	[tilespmem:$0x1E800] =	vst v63  }
0x25: {  	_ =	swait.ge [sflag:s12], $0x4000  }
0x26: {  	[sflag:s12] =	ssyncset.done $0x0  }
0x27: {  	s30 =	simm.s32 $0x100;
	[sflag:s12] =	ssyncadd.s32 $0xFFFFC000  }
0x28: {  	[tilespmem:s15], [sflag:$0x1] =	stream.indirect.gather [hbm4b:s4+s14], $0x80, s30, s14, $0xb8;
	[tilespmem:$0x1E800] =	vst v63  }
0x29: {  	_ =	swait.ge [sflag:s18], $0x4000  }
0x2a: {  	[sflag:s18] =	ssyncset.done $0x0  }
0x2b: {  	s31 =	simm.s32 $0x1480;
	[sflag:s18] =	ssyncadd.s32 $0xFFFFC000  }
0x2c: {  	[spmem:s2] =	stream.indirect.scatter.add.f32 [tilespmem:s16], [sflag:$0x3], $0x80, s31, s14, $0xb8;
	[tilespmem:$0x1E800] =	vst v63  }
0x2d: {  	_ =	swait.ge [sflag:s12], $0x4000  }
0x2e: {  	s24 =	simm.s32 $0x800;
	s23 =	simm.s32 $0x100;
	[sflag:s12] =	ssyncset.done $0x0  }
.LBB2_2:
0x2f: {  	s25 =	sadd.s32 $0x80, s23  }
0x30: {  	[sflag:s12] =	ssyncadd.s32 $0xFFFFC000;
	s26 =	smov.u32 s24;
	s28 =	sadd.s32 $0x400, s24  }
0x31: {  	[tilespmem:s16], [sflag:$0x2] =	stream.indirect.gather [hbm4b:s4+s14], $0x80, s25, s14, $0xb8;
	[tilespmem:$0x1E800] =	vst v63  }
0x32: {  	p0 =	sne.s32 s24, $0x4800;
	_ =	swait.ge [sflag:s17], $0x4000  }
0x33: {  	[sflag:s17] =	ssyncset.done $0x0  }
0x34: {  	s24 =	sadd.s32 $0x1400, s23;
	[sflag:s17] =	ssyncadd.s32 $0xFFFFC000  }
0x35: {  	[spmem:s2] =	stream.indirect.scatter.add.f32 [tilespmem:s15], [sflag:$0x3], $0x80, s24, s14, $0xb8;
	[tilespmem:$0x1E800] =	vst v63  }
0x36: {  	_ =	swait.ge [sflag:s12], $0x4000  }
0x37: {  	[sflag:s12] =	ssyncset.done $0x0  }
0x38: {  	s24 =	sadd.s32 $0x100, s23;
	[sflag:s12] =	ssyncadd.s32 $0xFFFFC000  }
0x39: {  	[tilespmem:s15], [sflag:$0x1] =	stream.indirect.gather [hbm4b:s4+s14], $0x80, s24, s14, $0xb8;
	[tilespmem:$0x1E800] =	vst v63  }
0x3a: {  	_ =	swait.ge [sflag:s18], $0x4000  }
.Ltmp0:
0x3b: {  	[sflag:s18] =	ssyncset.done $0x0;
	(pc) =	sbr.rel @p0 .LBB2_2-.Ltmp0, $4  }
0x3c: {  	s23 =	sadd.s32 $0x1480, s23;
	[sflag:s18] =	ssyncadd.s32 $0xFFFFC000  }
0x3d: {  	[spmem:s2] =	stream.indirect.scatter.add.f32 [tilespmem:s16], [sflag:$0x3], $0x80, s23, s14, $0xb8;
	[tilespmem:$0x1E800] =	vst v63  }
0x3e: {  	_ =	swait.ge [sflag:s12], $0x4000  }
0x3f: {  	s24 =	smov.u32 s28;
	s23 =	sshra.s32 s26, $0x2;
	[sflag:s12] =	ssyncset.done $0x0  }
0x40: {  	s24 =	sadd.s32 $0x80, s23;
	[sflag:s12] =	ssyncadd.s32 $0xFFFFC000  }
0x41: {  	[tilespmem:s16], [sflag:$0x2] =	stream.indirect.gather [hbm4b:s4+s14], $0x80, s24, s14, $0xb8;
	[tilespmem:$0x1E800] =	vst v63  }
0x42: {  	_ =	swait.ge [sflag:s17], $0x4000  }
0x43: {  	[sflag:s17] =	ssyncset.done $0x0  }
0x44: {  	s29 =	sadd.s32 $0x1400, s23;
	[sflag:s17] =	ssyncadd.s32 $0xFFFFC000  }
0x45: {  	[spmem:s2] =	stream.indirect.scatter.add.f32 [tilespmem:s15], [sflag:$0x3], $0x80, s29, s14, $0xb8;
	[tilespmem:$0x1E800] =	vst v63  }
0x46: {  	_ =	swait.ge [sflag:s12], $0x4000  }
0x47: {  	[sflag:s12] =	ssyncset.done $0x0  }
0x48: {  	s30 =	sadd.s32 $0x100, s23;
	[sflag:s12] =	ssyncadd.s32 $0xFFFFC000  }
0x49: {  	[tilespmem:s15], [sflag:$0x1] =	stream.indirect.gather [hbm4b:s4+s14], $0x80, s30, s14, $0xb8;
	[tilespmem:$0x1E800] =	vst v63  }
0x4a: {  	_ =	swait.ge [sflag:s18], $0x4000  }
0x4b: {  	[sflag:s18] =	ssyncset.done $0x0  }
0x4c: {  	s31 =	sadd.s32 $0x1480, s23;
	[sflag:s18] =	ssyncadd.s32 $0xFFFFC000  }
0x4d: {  	[spmem:s2] =	stream.indirect.scatter.add.f32 [tilespmem:s16], [sflag:$0x3], $0x80, s31, s14, $0xb8;
	[tilespmem:$0x1E800] =	vst v63  }
0x4e: {  	_ =	swait.ge [sflag:s12], $0x4000  }
0x4f: {  	[sflag:s12] =	ssyncset.done $0x0  }
0x50: {  	[sflag:s12] =	ssyncadd.s32 $0xFFFFC000  }
0x51: {  	[tilespmem:s16], [sflag:$0x2] =	stream.indirect.gather [hbm4b:s4+s14], $0x80, s19, s14, $0xb8;
	[tilespmem:$0x1E800] =	vst v63  }
0x52: {  	_ =	swait.ge [sflag:s17], $0x4000  }
0x53: {  	[sflag:s17] =	ssyncset.done $0x0  }
0x54: {  	[sflag:s17] =	ssyncadd.s32 $0xFFFFC000  }
0x55: {  	[spmem:s2] =	stream.indirect.scatter.add.f32 [tilespmem:s15], [sflag:$0x3], $0x80, s20, s14, $0xb8;
	[tilespmem:$0x1E800] =	vst v63  }
0x56: {  	_ =	swait.ge [sflag:s12], $0x4000  }
0x57: {  	[sflag:s12] =	ssyncset.done $0x0  }
0x58: {  	[sflag:s12] =	ssyncadd.s32 $0xFFFFC000  }
0x59: {  	_ =	swait.ge [sflag:s18], $0x4000  }
0x5a: {  	[sflag:s18] =	ssyncset.done $0x0  }
0x5b: {  	[sflag:s18] =	ssyncadd.s32 $0xFFFFC000  }
0x5c: {  	[spmem:s2] =	stream.indirect.scatter.add.f32 [tilespmem:s16], [sflag:$0x3], $0x80, s21, s14, $0xb8;
	[tilespmem:$0x1E800] =	vst v63  }
0x5d: {  	_ =	swait.ge [sflag:s12], $0x4000  }
0x5e: {  	s22 =	sadd.s32 $0x1, s22;
	[sflag:s12] =	ssyncset.done $0x0  }
0x5f: {  	p0 =	sne.s32 s22, s9;
	[sflag:s12] =	ssyncadd.s32 $0xFFFFC000  }
.Ltmp1:
0x60: {  	[bflag:$0x0] =	sbarrier.arrive $0xFFFF;
	(pc) =	sbr.rel @p0 .LBB2_1-.Ltmp1, $4  }
0x61: {  	[hbm:s10], [sflag:s6] =	dma.local [spmem:s11], $0x2800  }
0x62: {  	_ =	swait.ge [sflag:s12], $0x2800  }
0x63: {  	[sflag:s12] =	ssyncset.done $0x0  }
0x64: {  	[sflag:s12] =	ssyncadd.s32 $0xFFFFD800  }
0x65: {  	_ =	sfence.sel $0x180000  }
0x66: {  	[bflag:$0x0] =	sbarrier.arrive $0xFFFF  }
0x67: {  	p0 =	sne.s32 s1, $0x0;
	_ =	strace $0x9000004D  }
0x68: {  	s0 =	sadd.s32 @!p0 $0x100000, s0;
	[bflag:$0x2] =	sbarrier.arrive $0xFFFF  }
0x69: {  	[sflag:s0] =	ssyncadd.tile.s32 @!p0 $0x1;
	_ =	shalt  }
.Lfunc_end2:
_tile_overlayer_lowered:
.L_overlay_start_2:
0x6a: {  	(tag) =	ssettag $0x2  }
0x6b: {  	s0 =	rddreg [dreg:$0x0];
	s2 =	stileid.u32  }
0x6c: {  	s1 =	rddreg [dreg:$0x1];
	p0 =	sne.s32 s2, $0x0  }
0x6d: {  	s3 =	rddreg [dreg:$0x2];
	[bflag:$0x3] =	sbarrier.arrive $0xFFFF;
	s2 =	simm.s32 @!p0 $0x1C03  }
0x6e: {  	[timem:s3], [sflag:s2] =	dma.local @!p0 [hbm:s0], s1  }
0x6f: {  	s0 =	simm.s32 @!p0 $0x3  }
0x70: {  	_ =	swait.ge @!p0 [sflag:s0], s1  }
0x71: {  	s1 =	ssub.s32 @!p0 $0x0, s1;
	[sflag:s0] =	ssyncset.done @!p0 $0x0  }
0x72: {  	[sflag:s0] =	ssyncadd.s32 @!p0 s1  }
0x73: {  	[bflag:$0x3] =	sbarrier.arrive $0xFFFF  }
0x74: {  	_ =	shalt  }

// kernel: kernel.8.cloned.1.call-start
scs
__scs_entry_jumppad:
0x0: {  	(pc) =	sbr.rel $0x88, $3  }
0x1: {  	(tag) =	ssettag $0x0;
	lr =	simm.s32 $0x1  }
0x2: {  	[smem:$0x3F99] =	sst lr;
	_ =	strace $0xD0000000  }
0x3: {  	_ = 	snop  }
0x4: {  	_ = 	snop  }
0x5: {  	_ = 	snop  }
0x6: {  	_ = 	snop  }
0x7: {  	_ = 	snop  }
__scs_overlays_trampoline_lowered:
0x8: {  	[smem:$0x3FA8] =	sst s0  }
0x9: {  	[smem:$0x3FA9] =	sst s1  }
0xa: {  	[smem:$0x3FAA] =	sst s2  }
0xb: {  	[smem:$0x3FAB] =	sst s3  }
0xc: {  	[smem:$0x3FAC] =	sst s4  }
0xd: {  	[smem:$0x3FAD] =	sst s5  }
0xe: {  	[smem:$0x3FAE] =	sst s6  }
0xf: {  	[smem:$0x3FAF] =	sst s7  }
0x10: {  	[smem:$0x3FB0] =	sst s8  }
0x11: {  	[smem:$0x3FB1] =	sst s9;
	s0 =	simm.s32 @!p0 $0x0  }
0x12: {  	s1 =	sld [smem:$0x3F97];
	s0 =	simm.s32 @p0 $0x1  }
0x13: {  	[smem:$0x3FB2] =	sst s0;
	s0 =	simm.s32 @!p1 $0x0  }
0x14: {  	s2 =	sld [smem:$0x3F96];
	s0 =	simm.s32 @p1 $0x1  }
0x15: {  	[smem:$0x3FB3] =	sst s0;
	s0 =	simm.s32 @!p2 $0x0  }
0x16: {  	s3 =	sld [smem:$0x3FDB];
	s0 =	simm.s32 @p2 $0x1  }
0x17: {  	s4 =	simm.s32 $0x1BF5;
	[smem:$0x3FB5] =	sst s0  }
0x18: {  	s0 =	sld [smem:$0x3F98];
	_ =	swait.ge [sflag:s4], $0x0  }
0x19: {  	s7 =	sld [smem:$0x3F99]  }
0x1a: {  	s8 =	sadd.s32 $0xFFFFE003, lr  }
0x1b: {  	s9 =	sadd.s32 $0xFFFFFEF7, lr;
	s5 =	simm.s32 $0xFFFFFFFF;
	p2 =	slt.u32 s8, $0xFFFFF086  }
0x1c: {  	p1 =	slt.u32 s9, $0xF7A;
	s5 =	simm.s32 @!p2 $0x0  }
0x1d: {  	s5 =	simm.s32 @p1 $0x1;
	p0 =	seq.s32 s7, s2  }
0x1e: {  	s7 =	smul.u32 @!p0 $0xF7A, s2;
	p2 =	seq.s32 @!p0 s5, $0x0  }
0x1f: {  	s9 =	smul.u32 $0xF7A, s1;
	s8 =	simm.s32 @!p0 $0x1BF5;
	p2 =	por !p2, p0  }
0x20: {  	[sflag:s8] =	ssyncset.s32 @!p0 $0xFFFFF086;
	s6 =	sadd.s32 @!p0 s3, s7;
	s7 =	simm.s32 @!p0 $0x108  }
0x21: {  	s3 =	sadd.s32 s3, s9;
	s6 =	sadd.s32 @!p0 $0x88, s6;
	s7 =	simm.s32 @p2 $0x1082  }
0x22: {  	[simem:s7], [sflag:s8] =	dma.local @!p0 [hbm:s6], $0xF7A  }
0x23: {  	s9 =	sor.u32 $0xD0000000, s2;
	s6 =	simm.s32 $0x108;
	_ =	swait.ge @!p0 [sflag:s8], $0x0  }
0x24: {  	s3 =	sadd.s32 $0x88, s3;
	s6 =	simm.s32 @!p1 $0x1082;
	[sflag:s4] =	ssyncset.s32 $0xFFFFF086  }
0x25: {  	[simem:s6], [sflag:s4] =	dma.local [hbm:s3], $0xF7A  }
0x26: {  	[smem:$0x3F99] =	sst s1;
	(tag) =	ssettag s2;
	_ =	strace s9  }
0x27: {  	s1 =	sld [smem:$0x3FA9]  }
0x28: {  	s2 =	sld [smem:$0x3FAA]  }
0x29: {  	s4 =	sld [smem:$0x3FAC]  }
0x2a: {  	p0 =	seq.s32 s5, $0x0;
	s5 =	sld [smem:$0x3FAD]  }
0x2b: {  	s6 =	sld [smem:$0x3FAE]  }
0x2c: {  	s7 =	sld [smem:$0x3FAF]  }
0x2d: {  	s3 =	simm.s32 $0x108;
	s8 =	sld [smem:$0x3FB0]  }
0x2e: {  	s3 =	simm.s32 @!p0 $0x1082;
	s9 =	sld [smem:$0x3FB1]  }
0x2f: {  	lr =	sadd.s32 s0, s3;
	s0 =	sld [smem:$0x3FA8]  }
0x30: {  	s3 =	sld [smem:$0x3FAB]  }
0x31: {  	[smem:$0x3FB4] =	sst s10  }
0x32: {  	s10 =	sld [smem:$0x3FB2];
	_ =	sdelay $0x3  }
0x33: {  	p0 =	seq.s32 s10, $0x1;
	s10 =	sld [smem:$0x3FB4];
	_ =	sdelay $0x3  }
0x34: {  	[smem:$0x3FB4] =	sst s10  }
0x35: {  	s10 =	sld [smem:$0x3FB3];
	_ =	sdelay $0x3  }
0x36: {  	p1 =	seq.s32 s10, $0x1;
	s10 =	sld [smem:$0x3FB4];
	_ =	sdelay $0x3  }
0x37: {  	[smem:$0x3FB4] =	sst s10  }
0x38: {  	s10 =	sld [smem:$0x3FB5]  }
0x39: {  	_ = 	snop;
	(pc) =	sbr.ind lr, $3  }
0x3a: {  	_ = 	snop  }
0x3b: {  	_ = 	snop  }
0x3c: {  	p2 =	seq.s32 s10, $0x1;
	s10 =	sld [smem:$0x3FB4]  }
0x3d: {  	_ =	shalt  }
0x3e: {  	_ =	shalt  }
0x3f: {  	_ =	shalt  }
0x40: {  	_ =	shalt  }
0x41: {  	_ =	shalt  }
0x42: {  	_ =	shalt  }
0x43: {  	_ =	shalt  }
0x44: {  	_ =	shalt  }
0x45: {  	_ =	shalt  }
0x46: {  	_ =	shalt  }
0x47: {  	_ =	shalt  }
0x48: {  	_ =	shalt  }
0x49: {  	_ =	shalt  }
0x4a: {  	_ =	shalt  }
0x4b: {  	_ =	shalt  }
0x4c: {  	_ =	shalt  }
0x4d: {  	_ =	shalt  }
0x4e: {  	_ =	shalt  }
0x4f: {  	_ =	shalt  }
0x50: {  	_ =	shalt  }
0x51: {  	_ =	shalt  }
0x52: {  	_ =	shalt  }
0x53: {  	_ =	shalt  }
0x54: {  	_ =	shalt  }
0x55: {  	_ =	shalt  }
0x56: {  	_ =	shalt  }
0x57: {  	_ =	shalt  }
0x58: {  	_ =	shalt  }
0x59: {  	_ =	shalt  }
0x5a: {  	_ =	shalt  }
0x5b: {  	_ =	shalt  }
0x5c: {  	_ =	shalt  }
0x5d: {  	_ =	shalt  }
0x5e: {  	_ =	shalt  }
0x5f: {  	_ =	shalt  }
0x60: {  	_ =	shalt  }
0x61: {  	_ =	shalt  }
0x62: {  	_ =	shalt  }
0x63: {  	_ =	shalt  }
0x64: {  	_ =	shalt  }
0x65: {  	_ =	shalt  }
0x66: {  	_ =	shalt  }
0x67: {  	_ =	shalt  }
0x68: {  	_ =	shalt  }
0x69: {  	_ =	shalt  }
0x6a: {  	_ =	shalt  }
0x6b: {  	_ =	shalt  }
0x6c: {  	_ =	shalt  }
0x6d: {  	_ =	shalt  }
0x6e: {  	_ =	shalt  }
0x6f: {  	_ =	shalt  }
0x70: {  	_ =	shalt  }
0x71: {  	_ =	shalt  }
0x72: {  	_ =	shalt  }
0x73: {  	_ =	shalt  }
0x74: {  	_ =	shalt  }
0x75: {  	_ =	shalt  }
0x76: {  	_ =	shalt  }
0x77: {  	_ =	shalt  }
0x78: {  	_ =	shalt  }
0x79: {  	_ =	shalt  }
0x7a: {  	_ =	shalt  }
0x7b: {  	_ =	shalt  }
0x7c: {  	_ =	shalt  }
0x7d: {  	_ =	shalt  }
0x7e: {  	_ =	shalt  }
0x7f: {  	_ =	shalt  }
0x80: {  	_ =	shalt  }
0x81: {  	_ =	shalt  }
0x82: {  	_ =	shalt  }
0x83: {  	_ =	shalt  }
0x84: {  	_ =	shalt  }
0x85: {  	_ =	shalt  }
0x86: {  	_ =	shalt  }
0x87: {  	_ =	shalt  }
.Lfunc_end0:
.L_simem_size_0:
called_computation_lowered:
.L_overlay_start_0:
0x88: {  	s2 =	sld [smem:$0x3FD9]  }
0x89: {  	s3 =	sld [smem:$0x3FFE];
	_ =	sdelay $0x1  }
0x8a: {  	s1 =	srdreg.scid  }
0x8b: {  	s0 =	sand.u32 $0x1, s1  }
0x8c: {  	s16 =	sshll.u32 s0, $0xA;
	s2 =	sadd.s32 s3, s2  }
0x8d: {  	s2 =	sadd.s32 s2, s16  }
0x8e: {  	[smem:$0x3FC0] =	sst s2  }
0x8f: {  	_ = 	snop  }
0x90: {  	(tm) =	ssettm $0x1  }
0x91: {  	s17 =	sld [smem:$0x3FFB];
	_ =	sdelay $0x3  }
0x92: {  	_ =	strace s17  }
0x93: {  	s2 =	sld [smem:$0x3FFC];
	_ =	sdelay $0x3  }
0x94: {  	_ =	strace s2  }
0x95: {  	s2 =	sld [smem:$0x3FFD];
	_ =	sdelay $0x3  }
0x96: {  	_ =	strace s2  }
0x97: {  	_ =	strace $0x8FFFFFFF  }
0x98: {  	s18 =	sld [smem:$0x3FDB];
	_ =	sdelay $0x1  }
0x99: {  	s19 =	simm.s32 $_scs_section_size  }
0x9a: {  	s4 =	simm.s32 $_size__tile_overlayer_lowered;
	s5 =	simm.s32 $_tile_overlayer_lowered  }
0x9b: {  	s22 =	simm.s32 $0x1BFF;
	s21 =	sshll.u32 s5, $0x1;
	s2 =	sadd.s32 s19, s18  }
0x9c: {  	s6 =	simm.s32 $0x0;
	s20 =	sshll.u32 s4, $0x1;
	s4 =	sadd.s32 s21, s2  }
0x9d: {  	[timem:s6], [sflag:s22] =	dma.local [hbm:s4], s20  }
0x9e: {  	_ =	swait.ge [sflag:s22], s20  }
0x9f: {  	s3 =	ssub.s32 $0x0, s20;
	[sflag:s22] =	ssyncset.done $0x0  }
0xa0: {  	[sflag:s22] =	ssyncadd.s32 s3;
	_ =	sdelay $0x1  }
0xa1: {  	s23 =	simm.s32 $0x1B8B  }
0xa2: {  	_ =	swait.ge [sflag:s23], $0x1  }
0xa3: {  	[sflag:s23] =	ssyncset.done $0x0  }
0xa4: {  	s25 =	simm.s32 $0x1B8E;
	s24 =	sld [smem:$0x3FFE];
	[sflag:s23] =	ssyncadd.s32 $0xFFFFFFFF  }
0xa5: {  	s26 =	simm.s32 $execute0_lowered;
	[smem:$0x3FD2] =	sst s25  }
0xa6: {  	s4 =	sshll.u32 s26, $0x1;
	_ =	strace $0x80000046;
	[dreg:$0x1] =	wrdreg $0xFFFFFFFF  }
0xa7: {  	s28 =	simm.s32 $_size_execute0_lowered;
	s2 =	sadd.s32 s2, s4;
	[dreg:$0x0] =	wrdreg $0x0  }
0xa8: {  	s4 =	sshll.u32 s28, $0x1;
	[dreg:$0x2] =	wrdreg s2  }
0xa9: {  	[dreg:$0x3] =	wrdreg s4  }
0xaa: {  	[dreg:$0x4] =	wrdreg $0xC0  }
0xab: {  	_ =	task [dreg:s6], $0x5FFFF  }
0xac: {  	[dreg:$0x1] =	wrdreg $0xFFFFFFFF  }
0xad: {  	[dreg:$0x0] =	wrdreg $0x60  }
0xae: {  	[dreg:$0x2] =	wrdreg s24  }
0xaf: {  	[dreg:$0x3] =	wrdreg $0x3C800  }
0xb0: {  	[dreg:$0x4] =	wrdreg $0x9  }
0xb1: {  	_ =	task.clear_ibuf [dreg:s6], $0x5FFFF;
	_ =	strace $0x90000046  }
0xb2: {  	s29 =	simm.s32 $0x9;
	_ =	strace $0x80000048  }
0xb3: {  	_ =	swait.ge [sflag:s29], $0x1  }
0xb4: {  	[sflag:s29] =	ssyncadd.s32 $0xFFFFFFFF  }
0xb5: {  	_ =	strace $0x90000048  }
0xb6: {  	_ =	sfence  }
0xb7: {  	s30 =	sld [smem:$0x0];
	_ =	sdelay $0x2  }
0xb8: {  	s31 =	sshll.u32 s1, $0xD;
	s1 =	sshrl.u32 s1, $0x2  }
0xb9: {  	s3 =	sand.u32 $0x4000, s31;
	s1 =	sadd.s32 s1, s30  }
0xba: {  	s0 =	sor.u32 s3, s0;
	s1 =	sshll.u32 s1, $0x11  }
0xbb: {  	s0 =	sor.u32 s1, s0  }
0xbc: {  	s0 =	sadd.s32 $0x8F2B, s0  }
0xbd: {  	[sflag:s0] =	ssyncadd.remote.s32 $0x1  }
0xbe: {  	_ =	sfence.sel $0xFFFF  }
0xbf: {  	[dreg:$0x0] =	wrdreg $0xFFFFFFFF;
	(pc) =	sbr.abs _section_cstart, $3  }
0xc0: {  	[dreg:$0x1] =	wrdreg $0xFFFFFFFF  }
0xc1: {  	_ =	task.clear_ibuf [dreg:s6], $0x2FFFF;
	_ =	strace $0x9FFFFFFF  }
0xc2: {  	(tm) =	ssettm $0x7FFFFFFF  }
0xc3: {  	_ =	shalt  }
tec
execute0_lowered:
.L_overlay_start_1:
0x0: {  	(tag) =	ssettag $0x1  }
0x1: {  	s0 =	srdreg.scid;
	s4 =	rddreg [dreg:$0x0]  }
0x2: {  	s8 =	stileid.u32;
	s1 =	rddreg [dreg:$0x1]  }
0x3: {  	s2 =	simm.s32 $0x0;
	s11 =	simm.s32 $0x50;
	s12 =	simm.s32 $0x3C00  }
0x4: {  	s13 =	simm.s32 $0x3F00;
	s14 =	simm.s32 $0x4300;
	s15 =	simm.s32 $0x0  }
0x5: {  	s3 =	sand.u32 $0x1, s0;
	s7 =	smul.u32 $0x14000, s8;
	[smem:$0x7FF] =	sst s2  }
0x6: {  	s9 =	smul.u32 $0xA00, s8;
	p0 =	sne.s32 s8, $0x0;
	s0 =	sshll.u32 s3, $0x4  }
0x7: {  	s6 =	smul.u32 $0x140000, s3;
	s29 =	ssub.s32 $0x2, s3;
	s3 =	sadd.s32 $0x8A00, s4  }
0x8: {  	s10 =	sshrl.u32 @!p0 s1, $0x3;
	s0 =	sor.u32 s8, s0;
	s30 =	sshrl.u32 s29, $0x1  }
0x9: {  	s31 =	sshrl.u32 s9, $0x2;
	s8 =	simm.s32 $0x1400;
	s9 =	simm.s32 $0x1  }
0xa: {  	s5 =	smul.u32 $0x280, s0;
	s0 =	rddreg [dreg:$0x2];
	s6 =	sadd.s32 s7, s6  }
0xb: {  	v0 =	vlaneseq.u32;
	_ =	strace $0x80000047;
	s7 =	ssub.s32 s29, s30;
	s6 =	sshrl.u32 s6, $0x3  }
0xc: {  	v5 =	vimm.f32 $1.000000000e+00;
	v1 =	vor.u32 $0x10, v0;
	v2 =	vor.u32 $0x20, v0;
	s7 =	smax.u32 s7, $0x1;
	s5 =	sadd.s32 s5, s4;
	s6 =	sadd.s32 s6, s4  }
0xd: {  	v3 =	vor.u32 $0x30, v0;
	v4 =	vor.u32 $0x40, v0;
	v6 =	vmul.u32 $0x80, v0;
	s4 =	sadd.s32 $0x3A00, s5;
	s5 =	sadd.s32 s31, s1;
	s6 =	sadd.s32 $0xB200, s6  }
.LBB2_1:
0xe: {  	[tilespmem:s8], [sflag:$0x1] =	stream.linear.gather [hbm4b:s3+s2], $0x2800, $0x38;
	[tilespmem:$0x18300] =	vst v63  }
0xf: {  	_ =	swait.ge [sflag:s9], $0x2800  }
0x10: {  	[sflag:s9] =	ssyncset.done $0x0  }
0x11: {  	[sflag:s9] =	ssyncadd.s32 $0xFFFFD800  }
0x12: {  	[tilespmem:$0x3C00] =	vst v0  }
0x13: {  	[tilespmem:$0x3C10] =	vst v1  }
0x14: {  	[tilespmem:$0x3C20] =	vst v2  }
0x15: {  	[tilespmem:$0x3C30] =	vst v3  }
0x16: {  	s16 =	simm.s32 @!p0 $0x1C01;
	[tilespmem:$0x3C40] =	vst v4  }
0x17: {  	[spmem:s10], [sflag:s16] =	dma.local @!p0 [hbm:s3], $0x500  }
0x18: {  	s16 =	simm.s32 @!p0 $0x1  }
0x19: {  	_ =	swait.ge @!p0 [sflag:s16], $0x500  }
0x1a: {  	[sflag:s16] =	ssyncset.done @!p0 $0x0  }
0x1b: {  	[sflag:s16] =	ssyncadd.s32 @!p0 $0xFFFFFB00  }
0x1c: {  	[tilespmem:s2], [sflag:$0x1] =	stream.linear.gather [hbm4b:s4+s2], $0x1400, $0x38;
	[tilespmem:$0x18300] =	vst v63  }
0x1d: {  	_ =	swait.ge [sflag:s9], $0x1400  }
0x1e: {  	[sflag:s9] =	ssyncset.done $0x0  }
0x1f: {  	[sflag:s9] =	ssyncadd.s32 $0xFFFFEC00  }
0x20: {  	s16 =	simm.s32 $0x0;
	[bflag:$0x0] =	sbarrier.arrive $0xFFFF  }
.LBB2_2:
0x21: {  	s17 =	sshra.s32 s16, $0x2  }
0x22: {  	v7 =	vld [tilespmem:s17+$0x0];
	_ =	sdelay $0x7  }
0x23: {  	[tilespmem:v7+s8+$0x0] =	vst.idx.add.f32.msk $0xffff, v5  }
0x24: {  	v7 =	vld [tilespmem:s17+$0x10];
	_ =	sdelay $0x7  }
0x25: {  	[tilespmem:v7+s8+$0x0] =	vst.idx.add.f32.msk $0xffff, v5  }
0x26: {  	v7 =	vld [tilespmem:s17+$0x20];
	_ =	sdelay $0x7  }
0x27: {  	[tilespmem:v7+s8+$0x0] =	vst.idx.add.f32.msk $0xffff, v5  }
0x28: {  	v7 =	vld [tilespmem:s17+$0x30];
	_ =	sdelay $0x7  }
0x29: {  	[tilespmem:v7+s8+$0x0] =	vst.idx.add.f32.msk $0xffff, v5  }
0x2a: {  	v7 =	vld [tilespmem:s17+$0x40];
	_ =	sdelay $0x7  }
0x2b: {  	[tilespmem:v7+s8+$0x0] =	vst.idx.add.f32.msk $0xffff, v5  }
0x2c: {  	v7 =	vld [tilespmem:s17+$0x50];
	_ =	sdelay $0x7  }
0x2d: {  	[tilespmem:v7+s8+$0x0] =	vst.idx.add.f32.msk $0xffff, v5  }
0x2e: {  	v7 =	vld [tilespmem:s17+$0x60];
	_ =	sdelay $0x7  }
0x2f: {  	[tilespmem:v7+s8+$0x0] =	vst.idx.add.f32.msk $0xffff, v5  }
0x30: {  	v7 =	vld [tilespmem:s17+$0x70];
	_ =	sdelay $0x2  }
0x31: {  	p1 =	sne.s32 s16, $0x4E00  }
.Ltmp0:
0x32: {  	_ = 	snop;
	(pc) =	sbr.rel @p1 .LBB2_2-.Ltmp0, $2  }
0x33: {  	_ =	sdelay $0x2  }
0x34: {  	s16 =	sadd.s32 $0x200, s16;
	[tilespmem:v7+s8+$0x0] =	vst.idx.add.f32.msk $0xffff, v5  }
0x35: {  	[spmem:s1] =	stream.indirect.scatter.add.f32 [tilespmem:s8], [sflag:$0x1], $0x80, s12, s11, $0xb8;
	[tilespmem:$0x18300] =	vst v63  }
0x36: {  	_ =	swait.ge [sflag:s9], $0x2800  }
0x37: {  	[sflag:s9] =	ssyncset.done $0x0  }
0x38: {  	[sflag:s9] =	ssyncadd.s32 $0xFFFFD800  }
0x39: {  	s16 =	simm.s32 $0x0;
	[bflag:$0x0] =	sbarrier.arrive $0xFFFF  }
0x3a: {  	[tilespmem:s13], [sflag:$0x1] =	stream.linear.gather [spmem:s5], $0x280, $0x38;
	[tilespmem:$0x18300] =	vst v63  }
0x3b: {  	s17 =	sand.u32 $0xE00, s16;
	_ =	swait.ge [sflag:s9], $0x280  }
0x3c: {  	s18 =	sand.u32 $0x70, s16;
	v7 =	vmov s16;
	s17 =	sshrl.u32 s17, $0x2;
	[sflag:s9] =	ssyncset.done $0x0  }
0x3d: {  	v8 =	vshll.u32 v7, $0x7;
	s30 =	sor.u32 s18, s17;
	[sflag:s9] =	ssyncadd.s32 $0xFFFFFD80  }
0x3e: {  	v8 =	vor.u32 v6, v8;
	v7 =	vld [tilespmem:s30+$0x3F00]  }
0x3f: {  	v9 =	vor.u32 $0x1, v8  }
0x40: {  	v10 =	vor.u32 $0x2, v8  }
0x41: {  	v11 =	vor.u32 $0x3, v8  }
0x42: {  	v12 =	vor.u32 $0x4, v8  }
0x43: {  	v13 =	vor.u32 $0x5, v8;
	[tilespmem:v8+s14+$0x0] =	vst.idx.msk $0xffff, v7  }
0x44: {  	v14 =	vor.u32 $0x6, v8;
	[tilespmem:v9+s14+$0x0] =	vst.idx.msk $0xffff, v7  }
0x45: {  	[tilespmem:v10+s14+$0x0] =	vst.idx.msk $0xffff, v7  }
0x46: {  	v8 =	vor.u32 $0x7, v8;
	[tilespmem:v11+s14+$0x0] =	vst.idx.msk $0xffff, v7  }
0x47: {  	s31 =	simm.s32 $0x40;
	[tilespmem:v12+s14+$0x0] =	vst.idx.msk $0xffff, v7  }
0x48: {  	s19 =	sand.u32 $0xE00, s31;
	s16 =	simm.s32 $0x10;
	[tilespmem:v13+s14+$0x0] =	vst.idx.msk $0xffff, v7  }
0x49: {  	s19 =	sshrl.u32 s19, $0x2;
	s17 =	simm.s32 $0x80;
	s18 =	sand.u32 $0x70, s16;
	v9 =	vmov s16;
	[tilespmem:v14+s14+$0x0] =	vst.idx.msk $0xffff, v7  }
.LBB2_4:
0x4a: {  	p1 =	sne.s32 s17, $0x9C0  }
0x4b: {  	s18 =	sor.u32 s18, s19;
	v9 =	vshll.u32 v9, $0x7;
	[tilespmem:v8+s14+$0x0] =	vst.idx.msk $0xffff, v7;
	s19 =	smov.u32 s17;
	s17 =	sadd.s32 $0x40, s17  }
0x4c: {  	v7 =	vld [tilespmem:s18+$0x3F00];
	v8 =	vor.u32 v6, v9  }
0x4d: {  	v9 =	vor.u32 $0x1, v8  }
0x4e: {  	v10 =	vor.u32 $0x2, v8  }
0x4f: {  	v11 =	vor.u32 $0x3, v8  }
0x50: {  	v12 =	vor.u32 $0x4, v8  }
0x51: {  	v13 =	vor.u32 $0x5, v8;
	[tilespmem:v8+s14+$0x0] =	vst.idx.msk $0xffff, v7  }
0x52: {  	v14 =	vor.u32 $0x6, v8;
	[tilespmem:v9+s14+$0x0] =	vst.idx.msk $0xffff, v7  }
.Ltmp1:
0x53: {  	v8 =	vor.u32 $0x7, v8;
	[tilespmem:v10+s14+$0x0] =	vst.idx.msk $0xffff, v7;
	(pc) =	sbr.rel @p1 .LBB2_4-.Ltmp1, $4  }
0x54: {  	[tilespmem:v11+s14+$0x0] =	vst.idx.msk $0xffff, v7  }
0x55: {  	[tilespmem:v12+s14+$0x0] =	vst.idx.msk $0xffff, v7  }
0x56: {  	s16 =	sadd.s32 $0x10, s16;
	s19 =	sand.u32 $0xE00, s19;
	[tilespmem:v13+s14+$0x0] =	vst.idx.msk $0xffff, v7  }
0x57: {  	s18 =	sand.u32 $0x70, s16;
	s19 =	sshrl.u32 s19, $0x2;
	v9 =	vmov s16;
	[tilespmem:v14+s14+$0x0] =	vst.idx.msk $0xffff, v7  }
0x58: {  	_ =	sdelay $0x3  }
0x59: {  	s16 =	sor.u32 s18, s19;
	v9 =	vshll.u32 v9, $0x7;
	[tilespmem:v8+s14+$0x0] =	vst.idx.msk $0xffff, v7  }
0x5a: {  	v7 =	vld [tilespmem:s16+$0x3F00];
	v8 =	vor.u32 v6, v9  }
0x5b: {  	v9 =	vor.u32 $0x1, v8  }
0x5c: {  	v10 =	vor.u32 $0x2, v8  }
0x5d: {  	v11 =	vor.u32 $0x3, v8  }
0x5e: {  	v12 =	vor.u32 $0x4, v8  }
0x5f: {  	v13 =	vor.u32 $0x5, v8;
	[tilespmem:v8+s14+$0x0] =	vst.idx.msk $0xffff, v7  }
0x60: {  	v63 =	vor.u32 $0x6, v8;
	[tilespmem:v9+s14+$0x0] =	vst.idx.msk $0xffff, v7  }
0x61: {  	v8 =	vor.u32 $0x7, v8;
	[tilespmem:v10+s14+$0x0] =	vst.idx.msk $0xffff, v7  }
0x62: {  	[tilespmem:v11+s14+$0x0] =	vst.idx.msk $0xffff, v7  }
0x63: {  	[tilespmem:v12+s14+$0x0] =	vst.idx.msk $0xffff, v7  }
0x64: {  	s15 =	sadd.s32 $0x1, s15;
	[tilespmem:v13+s14+$0x0] =	vst.idx.msk $0xffff, v7  }
0x65: {  	p1 =	sne.s32 s15, s7;
	[tilespmem:v63+s14+$0x0] =	vst.idx.msk $0xffff, v7  }
.Ltmp2:
0x66: {  	[tilespmem:v8+s14+$0x0] =	vst.idx.msk $0xffff, v7;
	(pc) =	sbr.rel @p1 .LBB2_1-.Ltmp2, $4  }
0x67: {  	[hbm4b:s6+s2] =	stream.linear.scatter [tilespmem:s14], [sflag:$0x1], $0x14000, $0x38;
	[tilespmem:$0x18300] =	vst v63  }
0x68: {  	_ =	swait.ge [sflag:s9], $0x14000  }
0x69: {  	[sflag:s9] =	ssyncset.done $0x0  }
0x6a: {  	[sflag:s9] =	ssyncadd.s32 $0xFFFEC000  }
0x6b: {  	_ =	sfence.sel $0x180000  }
0x6c: {  	[bflag:$0x0] =	sbarrier.arrive $0xFFFF  }
0x6d: {  	_ =	strace $0x90000047  }
0x6e: {  	s0 =	sadd.s32 @!p0 $0x100000, s0;
	[bflag:$0x2] =	sbarrier.arrive $0xFFFF  }
0x6f: {  	[sflag:s0] =	ssyncadd.tile.s32 @!p0 $0x1;
	_ =	shalt  }
.Lfunc_end2:
_tile_overlayer_lowered:
.L_overlay_start_2:
0x70: {  	(tag) =	ssettag $0x2  }
0x71: {  	s0 =	rddreg [dreg:$0x0];
	s2 =	stileid.u32  }
0x72: {  	s1 =	rddreg [dreg:$0x1];
	p0 =	sne.s32 s2, $0x0  }
0x73: {  	s3 =	rddreg [dreg:$0x2];
	[bflag:$0x3] =	sbarrier.arrive $0xFFFF;
	s2 =	simm.s32 @!p0 $0x1C01  }
0x74: {  	[timem:s3], [sflag:s2] =	dma.local @!p0 [hbm:s0], s1  }
0x75: {  	s0 =	simm.s32 @!p0 $0x1  }
0x76: {  	_ =	swait.ge @!p0 [sflag:s0], s1  }
0x77: {  	s1 =	ssub.s32 @!p0 $0x0, s1;
	[sflag:s0] =	ssyncset.done @!p0 $0x0  }
0x78: {  	[sflag:s0] =	ssyncadd.s32 @!p0 s1  }
0x79: {  	[bflag:$0x3] =	sbarrier.arrive $0xFFFF  }
0x7a: {  	_ =	shalt  }

</sc_bundles>
